<compile_context>
chip_gen: v7x
topology: tpu7x:2x2x1
jax: 0.10.2.dev20260603
libtpu: 0.0.44.dev20260713+nightly
codegen_flags: <defaults>
</compile_context>

<pallas_src>
import functools

import jax
import jax.numpy as jnp
from jax import lax
from jax.experimental import pallas as pl
from jax.experimental.pallas import tpu as pltpu
from jax.experimental.pallas import tpu_sc as plsc

N_NODES = 10000
N_EDGES = 320000
D_FEAT = 128
N_CLASSES = 47

NC = 2
NS = 16
CHUNK = 128
NCH = 80
D1 = 48
NPAD = 10016
ROWS_PER_TILE = NPAD // NS

BLK = 1000


def _make_sc_scatter(d, nbuf, g, stage_table=False):
    mesh = plsc.VectorSubcoreMesh(core_axis_name="c", subcore_axis_name="s")
    scratch = [
        pltpu.VMEM((g, CHUNK), jnp.int32),
        pltpu.VMEM((g, CHUNK), jnp.int32),
        pltpu.VMEM((nbuf, CHUNK, d), jnp.float32),
        pltpu.VMEM_SHARED((NPAD, d), jnp.float32),
        [pltpu.SemaphoreType.DMA] * nbuf,
    ]
    if stage_table:
        scratch.append(pltpu.VMEM_SHARED((N_NODES, d), jnp.float32))

    @functools.partial(
        pl.kernel,
        out_type=jax.ShapeDtypeStruct((NC, NPAD, d), jnp.float32),
        mesh=mesh,
        scratch_types=scratch,
        compiler_params=pltpu.CompilerParams(use_tc_tiling_on_sc=False),
    )
    def sc_scatter(y_hbm, src_hbm, dst_hbm, z_hbm, out_hbm,
                   srcv, dstv, rows, acc, sems, *maybe_tab):
        cid = lax.axis_index("c")
        sid = lax.axis_index("s")
        r0 = sid * ROWS_PER_TILE
        pltpu.sync_copy(z_hbm.at[pl.ds(r0, ROWS_PER_TILE)],
                        acc.at[pl.ds(r0, ROWS_PER_TILE)])
        if stage_table:
            tab = maybe_tab[0]
            tr = N_NODES // NS
            pltpu.sync_copy(y_hbm.at[pl.ds(sid * tr, tr)],
                            tab.at[pl.ds(sid * tr, tr)])
            src_tab = tab
        else:
            src_tab = y_hbm
        plsc.subcore_barrier()

        def group(gi, carry):
            pltpu.sync_copy(src_hbm.at[sid, pl.ds(cid * NCH + gi * g, g)], srcv)
            pltpu.sync_copy(dst_hbm.at[sid, pl.ds(cid * NCH + gi * g, g)], dstv)
            for b in range(nbuf):
                pltpu.async_copy(src_tab.at[srcv.at[b]], rows.at[b], sems[b])

            def body(t, carry2):
                for b in range(nbuf):
                    j = t * nbuf + b
                    pltpu.make_async_copy(
                        src_tab.at[srcv.at[j]], rows.at[b], sems[b]).wait()
                    pltpu.sync_copy(rows.at[b], acc.at[dstv.at[j]], add=True)

                    @pl.when(j + nbuf < g)
                    def _():
                        pltpu.async_copy(
                            src_tab.at[srcv.at[j + nbuf]], rows.at[b], sems[b])
                return carry2

            return lax.fori_loop(0, g // nbuf, body, carry)

        lax.fori_loop(0, NCH // g, group, 0)
        plsc.subcore_barrier()
        pltpu.sync_copy(acc.at[pl.ds(r0, ROWS_PER_TILE)],
                        out_hbm.at[cid, pl.ds(r0, ROWS_PER_TILE)])

    return sc_scatter


_sc_scatter_d1 = _make_sc_scatter(D1, nbuf=4, g=80, stage_table=True)

DSP = 64
DDEG = 16
NCH2 = 160


def _make_sc_scatter_split(nbuf, g):
    mesh = plsc.VectorSubcoreMesh(core_axis_name="c", subcore_axis_name="s")

    @functools.partial(
        pl.kernel,
        out_type=(jax.ShapeDtypeStruct((NC, NPAD, DSP), jnp.float32),
                  jax.ShapeDtypeStruct((NC, NPAD, DDEG), jnp.float32)),
        mesh=mesh,
        scratch_types=[
            pltpu.VMEM((g, CHUNK), jnp.int32),
            pltpu.VMEM((g, CHUNK), jnp.int32),
            pltpu.VMEM((nbuf, CHUNK, DSP), jnp.float32),
            pltpu.VMEM((CHUNK, DDEG), jnp.float32),
            pltpu.VMEM_SHARED((NPAD, DSP), jnp.float32),
            pltpu.VMEM_SHARED((NPAD, DDEG), jnp.float32),
            pltpu.VMEM_SHARED((N_NODES, DSP), jnp.float32),
            [pltpu.SemaphoreType.DMA] * nbuf,
        ],
        compiler_params=pltpu.CompilerParams(use_tc_tiling_on_sc=False),
    )
    def sc_scatter(ya_hbm, yb_hbm, src_hbm, dst_hbm, z_hbm, zd_hbm, ones_hbm,
                   out_hbm, deg_hbm, srcv, dstv, rows, onesv, acc, dacc, tab,
                   sems):
        cid = lax.axis_index("c")
        sid = lax.axis_index("s")
        r0 = sid * ROWS_PER_TILE
        pltpu.sync_copy(z_hbm.at[pl.ds(r0, ROWS_PER_TILE)],
                        acc.at[pl.ds(r0, ROWS_PER_TILE)])
        pltpu.sync_copy(zd_hbm.at[pl.ds(r0, ROWS_PER_TILE)],
                        dacc.at[pl.ds(r0, ROWS_PER_TILE)])
        pltpu.sync_copy(ones_hbm, onesv)
        tr = N_NODES // NS

        @pl.when(cid == 0)
        def _():
            pltpu.sync_copy(ya_hbm.at[pl.ds(sid * tr, tr)],
                            tab.at[pl.ds(sid * tr, tr)])

        @pl.when(cid == 1)
        def _():
            pltpu.sync_copy(yb_hbm.at[pl.ds(sid * tr, tr)],
                            tab.at[pl.ds(sid * tr, tr)])

        plsc.subcore_barrier()

        def group(gi, carry):
            pltpu.sync_copy(src_hbm.at[sid, pl.ds(gi * g, g)], srcv)
            pltpu.sync_copy(dst_hbm.at[sid, pl.ds(gi * g, g)], dstv)
            for b in range(nbuf):
                pltpu.async_copy(tab.at[srcv.at[b]], rows.at[b], sems[b])

            @pl.when(cid == 0)
            def _():
                for jj in range(g // 2):
                    pltpu.sync_copy(onesv, dacc.at[dstv.at[jj]], add=True)

            @pl.when(cid == 1)
            def _():
                for jj in range(g // 2, g):
                    pltpu.sync_copy(onesv, dacc.at[dstv.at[jj]], add=True)

            def body(t, carry2):
                for b in range(nbuf):
                    j = t * nbuf + b
                    pltpu.make_async_copy(
                        tab.at[srcv.at[j]], rows.at[b], sems[b]).wait()
                    pltpu.sync_copy(rows.at[b], acc.at[dstv.at[j]], add=True)

                    @pl.when(j + nbuf < g)
                    def _():
                        pltpu.async_copy(
                            tab.at[srcv.at[j + nbuf]], rows.at[b], sems[b])
                return carry2

            return lax.fori_loop(0, g // nbuf, body, carry)

        lax.fori_loop(0, NCH2 // g, group, 0)
        plsc.subcore_barrier()
        pltpu.sync_copy(acc.at[pl.ds(r0, ROWS_PER_TILE)],
                        out_hbm.at[cid, pl.ds(r0, ROWS_PER_TILE)])
        pltpu.sync_copy(dacc.at[pl.ds(r0, ROWS_PER_TILE)],
                        deg_hbm.at[cid, pl.ds(r0, ROWS_PER_TILE)])

    return sc_scatter


_sc_scatter_l0 = _make_sc_scatter_split(nbuf=4, g=8)


def _mm0_body(x_ref, w0a_ref, w0b_ref, ws_ref, b0_ref,
              ya_ref, yb_ref, s0_ref):
    xb = x_ref[...]
    ya_ref[...] = jnp.dot(xb, w0a_ref[...], preferred_element_type=jnp.float32)
    yb_ref[...] = jnp.dot(xb, w0b_ref[...], preferred_element_type=jnp.float32)
    s0_ref[...] = jnp.dot(xb, ws_ref[...],
                          preferred_element_type=jnp.float32) + b0_ref[...]


def _mid_body(acc_ref, deg_ref, s0_ref, w1_ref, ws1_ref, b1_ref,
              y1_ref, z1_ref, dinv_ref):
    agg = jnp.concatenate([acc_ref[0], acc_ref[1]], axis=1)
    deg = deg_ref[0][:, 0:1] + deg_ref[1][:, 0:1]
    dinv = 1.0 / jnp.maximum(deg, 1.0)
    h = jnp.maximum(agg * dinv + s0_ref[...], 0.0)
    y1_ref[...] = jnp.dot(h, w1_ref[...], preferred_element_type=jnp.float32)
    z1_ref[...] = jnp.dot(h, ws1_ref[...],
                          preferred_element_type=jnp.float32) + b1_ref[...]
    dinv_ref[...] = dinv


def _fin_body(acc_ref, dinv_ref, z1_ref, out_ref):
    a = acc_ref[0] + acc_ref[1]
    out_ref[...] = a[:, :N_CLASSES] * dinv_ref[...] + z1_ref[...]


def kernel(x, edge_index, W_neigh_0, W_self_0, b_0, W_neigh_1, W_self_1, b_1):
    src = edge_index[0].astype(jnp.int32)
    dst = edge_index[1].astype(jnp.int32)
    epw0 = N_EDGES // NS
    ppw0 = NCH2 * CHUNK - epw0
    pad_src0 = jnp.zeros((NS, ppw0), jnp.int32)
    pad_dst0 = jnp.broadcast_to(
        N_NODES + (jnp.arange(ppw0, dtype=jnp.int32) % (NPAD - N_NODES)),
        (NS, ppw0))
    src0_p = jnp.concatenate(
        [src.reshape(NS, epw0), pad_src0], axis=1).reshape(NS, NCH2, CHUNK)
    dst0_p = jnp.concatenate(
        [dst.reshape(NS, epw0), pad_dst0], axis=1).reshape(NS, NCH2, CHUNK)
    zeros_sp = jnp.zeros((NPAD, DSP), jnp.float32)
    zeros1 = jnp.zeros((NPAD, D1), jnp.float32)

    w0a = W_neigh_0[:, :DSP]
    w0b = W_neigh_0[:, DSP:]
    w1p = jnp.pad(W_neigh_1, ((0, 0), (0, D1 - N_CLASSES)))

    grid = N_NODES // BLK
    y0a, y0b, s0 = pl.pallas_call(
        _mm0_body,
        grid=(grid,),
        in_specs=[
            pl.BlockSpec((BLK, D_FEAT), lambda i: (i, 0)),
            pl.BlockSpec((D_FEAT, DSP), lambda i: (0, 0)),
            pl.BlockSpec((D_FEAT, DSP), lambda i: (0, 0)),
            pl.BlockSpec((D_FEAT, D_FEAT), lambda i: (0, 0)),
            pl.BlockSpec((1, D_FEAT), lambda i: (0, 0)),
        ],
        out_specs=[
            pl.BlockSpec((BLK, DSP), lambda i: (i, 0)),
            pl.BlockSpec((BLK, DSP), lambda i: (i, 0)),
            pl.BlockSpec((BLK, D_FEAT), lambda i: (i, 0)),
        ],
        out_shape=[
            jax.ShapeDtypeStruct((N_NODES, DSP), jnp.float32),
            jax.ShapeDtypeStruct((N_NODES, DSP), jnp.float32),
            jax.ShapeDtypeStruct((N_NODES, D_FEAT), jnp.float32),
        ],
    )(x, w0a, w0b, W_self_0, b_0[None, :])

    zeros_d = jnp.zeros((NPAD, DDEG), jnp.float32)
    ones_r = jnp.ones((CHUNK, DDEG), jnp.float32)
    acc0, degs = _sc_scatter_l0(y0a, y0b, src0_p, dst0_p, zeros_sp,
                                zeros_d, ones_r)

    y1p, z1, dinv = pl.pallas_call(
        _mid_body,
        grid=(grid,),
        in_specs=[
            pl.BlockSpec((NC, BLK, DSP), lambda i: (0, i, 0)),
            pl.BlockSpec((NC, BLK, DDEG), lambda i: (0, i, 0)),
            pl.BlockSpec((BLK, D_FEAT), lambda i: (i, 0)),
            pl.BlockSpec((D_FEAT, D1), lambda i: (0, 0)),
            pl.BlockSpec((D_FEAT, N_CLASSES), lambda i: (0, 0)),
            pl.BlockSpec((1, N_CLASSES), lambda i: (0, 0)),
        ],
        out_specs=[
            pl.BlockSpec((BLK, D1), lambda i: (i, 0)),
            pl.BlockSpec((BLK, N_CLASSES), lambda i: (i, 0)),
            pl.BlockSpec((BLK, 1), lambda i: (i, 0)),
        ],
        out_shape=[
            jax.ShapeDtypeStruct((N_NODES, D1), jnp.float32),
            jax.ShapeDtypeStruct((N_NODES, N_CLASSES), jnp.float32),
            jax.ShapeDtypeStruct((N_NODES, 1), jnp.float32),
        ],
    )(acc0, degs, s0, w1p, W_self_1, b_1[None, :])

    acc1 = _sc_scatter_d1(y1p, src0_p, dst0_p, zeros1)

    out = pl.pallas_call(
        _fin_body,
        grid=(grid,),
        in_specs=[
            pl.BlockSpec((NC, BLK, D1), lambda i: (0, i, 0)),
            pl.BlockSpec((BLK, 1), lambda i: (i, 0)),
            pl.BlockSpec((BLK, N_CLASSES), lambda i: (i, 0)),
        ],
        out_specs=pl.BlockSpec((BLK, N_CLASSES), lambda i: (i, 0)),
        out_shape=jax.ShapeDtypeStruct((N_NODES, N_CLASSES), jnp.float32),
    )(acc1, dinv, z1)

    return out

# --- scband reference (transcript-rebuilt; emitter-appended) ---
"""Pipeline reference for scband-graph-models-66941360276201 (READ-ONLY COPY).

The authoritative reference and input builder live on the scoring server;
editing this copy changes nothing except your own understanding.
"""

import jax, jax.numpy as jnp
import numpy as np

N_NODES = 10000
N_EDGES = 320000
D_FEAT = 128
N_CLASSES = 47


def setup_inputs(seed: int = 0) -> dict:
    key = jax.random.key(seed)
    k = jax.random.split(key, 9)
    x = jax.random.normal(k[0], (N_NODES, D_FEAT), dtype=jnp.float32)
    edge_index = jax.random.randint(k[1], (2, N_EDGES), 0, N_NODES, dtype=jnp.int64)
    s0 = 1.0 / np.sqrt(D_FEAT)
    W_neigh_0 = jax.random.uniform(k[2], (D_FEAT, D_FEAT), jnp.float32, -s0, s0)
    W_self_0 = jax.random.uniform(k[3], (D_FEAT, D_FEAT), jnp.float32, -s0, s0)
    b_0 = jax.random.uniform(k[4], (D_FEAT,), jnp.float32, -s0, s0)
    W_neigh_1 = jax.random.uniform(k[5], (D_FEAT, N_CLASSES), jnp.float32, -s0, s0)
    W_self_1 = jax.random.uniform(k[6], (D_FEAT, N_CLASSES), jnp.float32, -s0, s0)
    b_1 = jax.random.uniform(k[7], (N_CLASSES,), jnp.float32, -s0, s0)
    return {"x": x, "edge_index": edge_index, "W_neigh_0": W_neigh_0, "W_self_0": W_self_0, "b_0": b_0, "W_neigh_1": W_neigh_1, "W_self_1": W_self_1, "b_1": b_1}


def _sage_layer(h, src, dst, n, W_neigh, W_self, b):
    msg = jnp.take(h, src, axis=0)
    agg = jax.ops.segment_sum(msg, dst, num_segments=n)
    deg = jax.ops.segment_sum(jnp.ones((src.shape[0],), h.dtype), dst, num_segments=n)
    agg = agg / jnp.maximum(deg, 1.0)[:, None]
    return agg @ W_neigh + h @ W_self + b


def reference(x, edge_index, W_neigh_0, W_self_0, b_0, W_neigh_1, W_self_1, b_1):
    src = edge_index[0]
    dst = edge_index[1]
    n = x.shape[0]
    h = _sage_layer(x, src, dst, n, W_neigh_0, W_self_0, b_0)
    h = jax.nn.relu(h)
    h = _sage_layer(h, src, dst, n, W_neigh_1, W_self_1, b_1)
    return h

if __name__ == "__main__":
    import jax
    _d = setup_inputs()
    print(jax.jit(kernel)(*tuple(_d.values())))

</pallas_src>

<mosaic_0001>
#map = affine_map<(d0, d1) -> (0, 0)>
#map1 = affine_map<(d0, d1) -> (0, 0, 0)>
module attributes {stable_mosaic.version = 14 : i64} {
  func.func @sc_scatter(%arg0: i32, %arg1: i32, %arg2: memref<10000x48xf32, #tpu.memory_space<hbm>>, %arg3: memref<16x160x128xi32, #tpu.memory_space<hbm>>, %arg4: memref<16x160x128xi32, #tpu.memory_space<hbm>>, %arg5: memref<10016x48xf32, #tpu.memory_space<hbm>>, %arg6: memref<2x10016x48xf32, #tpu.memory_space<hbm>>, %arg7: memref<80x128xi32, #tpu.memory_space<vmem>>, %arg8: memref<80x128xi32, #tpu.memory_space<vmem>>, %arg9: memref<4x128x48xf32, #tpu.memory_space<vmem>>, %arg10: memref<10016x48xf32, #tpu.memory_space<vmem_shared>>, %arg11: memref<!tpu.dma_semaphore, #tpu.memory_space<semaphore_mem>>, %arg12: memref<!tpu.dma_semaphore, #tpu.memory_space<semaphore_mem>>, %arg13: memref<!tpu.dma_semaphore, #tpu.memory_space<semaphore_mem>>, %arg14: memref<!tpu.dma_semaphore, #tpu.memory_space<semaphore_mem>>, %arg15: memref<10000x48xf32, #tpu.memory_space<vmem_shared>>) attributes {dimension_semantics = [#tpu.dimension_semantics<core_parallel>, #tpu.dimension_semantics<subcore_parallel>], iteration_bounds = array<i64: 2, 16>, scalar_prefetch = 0 : i64, scratch_operands = 9 : i64, tpu.core_type = #tpu.core_type<sc_vector_subcore>, window_params = [{transform_indices = #map}, {transform_indices = #map1}, {transform_indices = #map1}, {transform_indices = #map}, {transform_indices = #map1}]} {
    %mul3A = arith.constant 626 : i32
    %mul3A_0 = arith.muli %arg1, %mul3A : i32
    "tpu.region"() ({
      %run_scoped3A = tpu.sem_alloc : memref<!tpu.dma_semaphore, #tpu.memory_space<semaphore_mem>>
      %dma_start3A_69 = arith.constant 0 : i32
      %dma_start3A_70 = tpu.memref_slice %arg10[%mul3A_0, %dma_start3A_69] : memref<10016x48xf32, #tpu.memory_space<vmem_shared>> -> memref<626x48xf32, #tpu.memory_space<vmem_shared>>
      %dma_start3A_71 = arith.constant 0 : i32
      %dma_start3A_72 = tpu.memref_slice %arg5[%mul3A_0, %dma_start3A_71] : memref<10016x48xf32, #tpu.memory_space<hbm>> -> memref<626x48xf32, #tpu.memory_space<hbm>>
      tpu.enqueue_dma source(%dma_start3A_72 : memref<626x48xf32, #tpu.memory_space<hbm>>) target(%dma_start3A_70 : memref<626x48xf32, #tpu.memory_space<vmem_shared>>) target_semaphore(%run_scoped3A : memref<!tpu.dma_semaphore, #tpu.memory_space<semaphore_mem>>)
      %dma_wait3A = arith.constant 0 : i32
      %dma_wait3A_73 = tpu.memref_slice %arg10[%mul3A_0, %dma_wait3A] : memref<10016x48xf32, #tpu.memory_space<vmem_shared>> -> memref<626x48xf32, #tpu.memory_space<vmem_shared>>
      %dma_wait3A_74 = arith.constant 0 : i32
      %dma_wait3A_75 = tpu.memref_slice %arg5[%mul3A_0, %dma_wait3A_74] : memref<10016x48xf32, #tpu.memory_space<hbm>> -> memref<626x48xf32, #tpu.memory_space<hbm>>
      tpu.wait_dma2 semaphore(%run_scoped3A : memref<!tpu.dma_semaphore, #tpu.memory_space<semaphore_mem>>) src(%dma_wait3A_75 : memref<626x48xf32, #tpu.memory_space<hbm>>) dst(%dma_wait3A_73 : memref<626x48xf32, #tpu.memory_space<vmem_shared>>)
      tpu.yield
    }) : () -> ()
    %mul3A_1 = arith.constant 625 : i32
    %mul3A_2 = arith.muli %arg1, %mul3A_1 : i32
    %mul3A_3 = arith.constant 625 : i32
    %mul3A_4 = arith.muli %arg1, %mul3A_3 : i32
    "tpu.region"() ({
      %run_scoped3A = tpu.sem_alloc : memref<!tpu.dma_semaphore, #tpu.memory_space<semaphore_mem>>
      %dma_start3A_69 = arith.constant 0 : i32
      %dma_start3A_70 = tpu.memref_slice %arg15[%mul3A_4, %dma_start3A_69] : memref<10000x48xf32, #tpu.memory_space<vmem_shared>> -> memref<625x48xf32, #tpu.memory_space<vmem_shared>>
      %dma_start3A_71 = arith.constant 0 : i32
      %dma_start3A_72 = tpu.memref_slice %arg2[%mul3A_2, %dma_start3A_71] : memref<10000x48xf32, #tpu.memory_space<hbm>> -> memref<625x48xf32, #tpu.memory_space<hbm>>
      tpu.enqueue_dma source(%dma_start3A_72 : memref<625x48xf32, #tpu.memory_space<hbm>>) target(%dma_start3A_70 : memref<625x48xf32, #tpu.memory_space<vmem_shared>>) target_semaphore(%run_scoped3A : memref<!tpu.dma_semaphore, #tpu.memory_space<semaphore_mem>>)
      %dma_wait3A = arith.constant 0 : i32
      %dma_wait3A_73 = tpu.memref_slice %arg15[%mul3A_4, %dma_wait3A] : memref<10000x48xf32, #tpu.memory_space<vmem_shared>> -> memref<625x48xf32, #tpu.memory_space<vmem_shared>>
      %dma_wait3A_74 = arith.constant 0 : i32
      %dma_wait3A_75 = tpu.memref_slice %arg2[%mul3A_2, %dma_wait3A_74] : memref<10000x48xf32, #tpu.memory_space<hbm>> -> memref<625x48xf32, #tpu.memory_space<hbm>>
      tpu.wait_dma2 semaphore(%run_scoped3A : memref<!tpu.dma_semaphore, #tpu.memory_space<semaphore_mem>>) src(%dma_wait3A_75 : memref<625x48xf32, #tpu.memory_space<hbm>>) dst(%dma_wait3A_73 : memref<625x48xf32, #tpu.memory_space<vmem_shared>>)
      tpu.yield
    }) : () -> ()
    %barrier3A = arith.constant 0 : index
    tpu.barrier barrier_id(%barrier3A)
    %scan3A = arith.constant 0 : i32
    %scan3A_5 = arith.constant 0 : i32
    %mul3A_6 = arith.constant 80 : i32
    %mul3A_7 = arith.muli %arg0, %mul3A_6 : i32
    %mul3A_8 = arith.constant 80 : i32
    %mul3A_9 = arith.muli %scan3A_5, %mul3A_8 : i32
    %add3A = arith.addi %mul3A_7, %mul3A_9 : i32
    "tpu.region"() ({
      %run_scoped3A = tpu.sem_alloc : memref<!tpu.dma_semaphore, #tpu.memory_space<semaphore_mem>>
      %dma_start3A_69 = arith.constant 0 : i32
      %dma_start3A_70 = tpu.memref_slice %arg3[%arg1, %add3A, %dma_start3A_69] : memref<16x160x128xi32, #tpu.memory_space<hbm>> -> memref<1x80x128xi32, #tpu.memory_space<hbm>>
      %dma_start3A_71 = tpu.memref_squeeze %dma_start3A_70 : memref<1x80x128xi32, #tpu.memory_space<hbm>> -> memref<80x128xi32, #tpu.memory_space<hbm>>
      %dma_start3A_72 = arith.constant 0 : i32
      %dma_start3A_73 = tpu.memref_slice %arg3[%arg1, %add3A, %dma_start3A_72] : memref<16x160x128xi32, #tpu.memory_space<hbm>> -> memref<1x80x128xi32, #tpu.memory_space<hbm>>
      %dma_start3A_74 = tpu.memref_squeeze %dma_start3A_73 : memref<1x80x128xi32, #tpu.memory_space<hbm>> -> memref<80x128xi32, #tpu.memory_space<hbm>>
      tpu.enqueue_dma source(%dma_start3A_74 : memref<80x128xi32, #tpu.memory_space<hbm>>) target(%arg7 : memref<80x128xi32, #tpu.memory_space<vmem>>) target_semaphore(%run_scoped3A : memref<!tpu.dma_semaphore, #tpu.memory_space<semaphore_mem>>)
      %dma_wait3A = arith.constant 0 : i32
      %dma_wait3A_75 = tpu.memref_slice %arg3[%arg1, %add3A, %dma_wait3A] : memref<16x160x128xi32, #tpu.memory_space<hbm>> -> memref<1x80x128xi32, #tpu.memory_space<hbm>>
      %dma_wait3A_76 = tpu.memref_squeeze %dma_wait3A_75 : memref<1x80x128xi32, #tpu.memory_space<hbm>> -> memref<80x128xi32, #tpu.memory_space<hbm>>
      %dma_wait3A_77 = arith.constant 0 : i32
      %dma_wait3A_78 = tpu.memref_slice %arg3[%arg1, %add3A, %dma_wait3A_77] : memref<16x160x128xi32, #tpu.memory_space<hbm>> -> memref<1x80x128xi32, #tpu.memory_space<hbm>>
      %dma_wait3A_79 = tpu.memref_squeeze %dma_wait3A_78 : memref<1x80x128xi32, #tpu.memory_space<hbm>> -> memref<80x128xi32, #tpu.memory_space<hbm>>
      tpu.wait_dma2 semaphore(%run_scoped3A : memref<!tpu.dma_semaphore, #tpu.memory_space<semaphore_mem>>) src(%dma_wait3A_79 : memref<80x128xi32, #tpu.memory_space<hbm>>) dst(%arg7 : memref<80x128xi32, #tpu.memory_space<vmem>>)
      tpu.yield
    }) : () -> ()
    %mul3A_10 = arith.constant 80 : i32
    %mul3A_11 = arith.muli %arg0, %mul3A_10 : i32
    %mul3A_12 = arith.constant 80 : i32
    %mul3A_13 = arith.muli %scan3A_5, %mul3A_12 : i32
    %add3A_14 = arith.addi %mul3A_11, %mul3A_13 : i32
    "tpu.region"() ({
      %run_scoped3A = tpu.sem_alloc : memref<!tpu.dma_semaphore, #tpu.memory_space<semaphore_mem>>
      %dma_start3A_69 = arith.constant 0 : i32
      %dma_start3A_70 = tpu.memref_slice %arg4[%arg1, %add3A_14, %dma_start3A_69] : memref<16x160x128xi32, #tpu.memory_space<hbm>> -> memref<1x80x128xi32, #tpu.memory_space<hbm>>
      %dma_start3A_71 = tpu.memref_squeeze %dma_start3A_70 : memref<1x80x128xi32, #tpu.memory_space<hbm>> -> memref<80x128xi32, #tpu.memory_space<hbm>>
      %dma_start3A_72 = arith.constant 0 : i32
      %dma_start3A_73 = tpu.memref_slice %arg4[%arg1, %add3A_14, %dma_start3A_72] : memref<16x160x128xi32, #tpu.memory_space<hbm>> -> memref<1x80x128xi32, #tpu.memory_space<hbm>>
      %dma_start3A_74 = tpu.memref_squeeze %dma_start3A_73 : memref<1x80x128xi32, #tpu.memory_space<hbm>> -> memref<80x128xi32, #tpu.memory_space<hbm>>
      tpu.enqueue_dma source(%dma_start3A_74 : memref<80x128xi32, #tpu.memory_space<hbm>>) target(%arg8 : memref<80x128xi32, #tpu.memory_space<vmem>>) target_semaphore(%run_scoped3A : memref<!tpu.dma_semaphore, #tpu.memory_space<semaphore_mem>>)
      %dma_wait3A = arith.constant 0 : i32
      %dma_wait3A_75 = tpu.memref_slice %arg4[%arg1, %add3A_14, %dma_wait3A] : memref<16x160x128xi32, #tpu.memory_space<hbm>> -> memref<1x80x128xi32, #tpu.memory_space<hbm>>
      %dma_wait3A_76 = tpu.memref_squeeze %dma_wait3A_75 : memref<1x80x128xi32, #tpu.memory_space<hbm>> -> memref<80x128xi32, #tpu.memory_space<hbm>>
      %dma_wait3A_77 = arith.constant 0 : i32
      %dma_wait3A_78 = tpu.memref_slice %arg4[%arg1, %add3A_14, %dma_wait3A_77] : memref<16x160x128xi32, #tpu.memory_space<hbm>> -> memref<1x80x128xi32, #tpu.memory_space<hbm>>
      %dma_wait3A_79 = tpu.memref_squeeze %dma_wait3A_78 : memref<1x80x128xi32, #tpu.memory_space<hbm>> -> memref<80x128xi32, #tpu.memory_space<hbm>>
      tpu.wait_dma2 semaphore(%run_scoped3A : memref<!tpu.dma_semaphore, #tpu.memory_space<semaphore_mem>>) src(%dma_wait3A_79 : memref<80x128xi32, #tpu.memory_space<hbm>>) dst(%arg8 : memref<80x128xi32, #tpu.memory_space<vmem>>)
      tpu.yield
    }) : () -> ()
    %dma_start3A = arith.constant 0 : i32
    %dma_start3A_15 = arith.constant 0 : i32
    %dma_start3A_16 = arith.constant 0 : i32
    %dma_start3A_17 = arith.constant 0 : i32
    %dma_start3A_18 = tpu.memref_slice %arg9[%dma_start3A_15, %dma_start3A_16, %dma_start3A_17] : memref<4x128x48xf32, #tpu.memory_space<vmem>> -> memref<1x128x48xf32, #tpu.memory_space<vmem>>
    %dma_start3A_19 = tpu.memref_squeeze %dma_start3A_18 : memref<1x128x48xf32, #tpu.memory_space<vmem>> -> memref<128x48xf32, #tpu.memory_space<vmem>>
    %dma_start3A_20 = arith.constant 0 : i32
    %dma_start3A_21 = tpu.memref_slice %arg7[%dma_start3A, %dma_start3A_20] : memref<80x128xi32, #tpu.memory_space<vmem>> -> memref<1x128xi32, #tpu.memory_space<vmem>>
    %dma_start3A_22 = tpu.memref_squeeze %dma_start3A_21 : memref<1x128xi32, #tpu.memory_space<vmem>> -> memref<128xi32, #tpu.memory_space<vmem>>
    %dma_start3A_23 = arith.constant 0 : i32
    %dma_start3A_24 = arith.constant 0 : i32
    %dma_start3A_25 = tpu.memref_slice %arg15[%dma_start3A_23, %dma_start3A_24] : memref<10000x48xf32, #tpu.memory_space<vmem_shared>> -> memref<10000x48xf32, #tpu.memory_space<vmem_shared>>
    tpu.enqueue_indirect_dma source(%dma_start3A_25 : memref<10000x48xf32, #tpu.memory_space<vmem_shared>>) target(%dma_start3A_19 : memref<128x48xf32, #tpu.memory_space<vmem>>) offsets(%dma_start3A_22 : memref<128xi32, #tpu.memory_space<vmem>>) semaphore(%arg11 : memref<!tpu.dma_semaphore, #tpu.memory_space<semaphore_mem>>)
    %dma_start3A_26 = arith.constant 1 : i32
    %dma_start3A_27 = arith.constant 1 : i32
    %dma_start3A_28 = arith.constant 0 : i32
    %dma_start3A_29 = arith.constant 0 : i32
    %dma_start3A_30 = tpu.memref_slice %arg9[%dma_start3A_27, %dma_start3A_28, %dma_start3A_29] : memref<4x128x48xf32, #tpu.memory_space<vmem>> -> memref<1x128x48xf32, #tpu.memory_space<vmem>>
    %dma_start3A_31 = tpu.memref_squeeze %dma_start3A_30 : memref<1x128x48xf32, #tpu.memory_space<vmem>> -> memref<128x48xf32, #tpu.memory_space<vmem>>
    %dma_start3A_32 = arith.constant 0 : i32
    %dma_start3A_33 = tpu.memref_slice %arg7[%dma_start3A_26, %dma_start3A_32] : memref<80x128xi32, #tpu.memory_space<vmem>> -> memref<1x128xi32, #tpu.memory_space<vmem>>
    %dma_start3A_34 = tpu.memref_squeeze %dma_start3A_33 : memref<1x128xi32, #tpu.memory_space<vmem>> -> memref<128xi32, #tpu.memory_space<vmem>>
    %dma_start3A_35 = arith.constant 0 : i32
    %dma_start3A_36 = arith.constant 0 : i32
    %dma_start3A_37 = tpu.memref_slice %arg15[%dma_start3A_35, %dma_start3A_36] : memref<10000x48xf32, #tpu.memory_space<vmem_shared>> -> memref<10000x48xf32, #tpu.memory_space<vmem_shared>>
    tpu.enqueue_indirect_dma source(%dma_start3A_37 : memref<10000x48xf32, #tpu.memory_space<vmem_shared>>) target(%dma_start3A_31 : memref<128x48xf32, #tpu.memory_space<vmem>>) offsets(%dma_start3A_34 : memref<128xi32, #tpu.memory_space<vmem>>) semaphore(%arg12 : memref<!tpu.dma_semaphore, #tpu.memory_space<semaphore_mem>>)
    %dma_start3A_38 = arith.constant 2 : i32
    %dma_start3A_39 = arith.constant 2 : i32
    %dma_start3A_40 = arith.constant 0 : i32
    %dma_start3A_41 = arith.constant 0 : i32
    %dma_start3A_42 = tpu.memref_slice %arg9[%dma_start3A_39, %dma_start3A_40, %dma_start3A_41] : memref<4x128x48xf32, #tpu.memory_space<vmem>> -> memref<1x128x48xf32, #tpu.memory_space<vmem>>
    %dma_start3A_43 = tpu.memref_squeeze %dma_start3A_42 : memref<1x128x48xf32, #tpu.memory_space<vmem>> -> memref<128x48xf32, #tpu.memory_space<vmem>>
    %dma_start3A_44 = arith.constant 0 : i32
    %dma_start3A_45 = tpu.memref_slice %arg7[%dma_start3A_38, %dma_start3A_44] : memref<80x128xi32, #tpu.memory_space<vmem>> -> memref<1x128xi32, #tpu.memory_space<vmem>>
    %dma_start3A_46 = tpu.memref_squeeze %dma_start3A_45 : memref<1x128xi32, #tpu.memory_space<vmem>> -> memref<128xi32, #tpu.memory_space<vmem>>
    %dma_start3A_47 = arith.constant 0 : i32
    %dma_start3A_48 = arith.constant 0 : i32
    %dma_start3A_49 = tpu.memref_slice %arg15[%dma_start3A_47, %dma_start3A_48] : memref<10000x48xf32, #tpu.memory_space<vmem_shared>> -> memref<10000x48xf32, #tpu.memory_space<vmem_shared>>
    tpu.enqueue_indirect_dma source(%dma_start3A_49 : memref<10000x48xf32, #tpu.memory_space<vmem_shared>>) target(%dma_start3A_43 : memref<128x48xf32, #tpu.memory_space<vmem>>) offsets(%dma_start3A_46 : memref<128xi32, #tpu.memory_space<vmem>>) semaphore(%arg13 : memref<!tpu.dma_semaphore, #tpu.memory_space<semaphore_mem>>)
    %dma_start3A_50 = arith.constant 3 : i32
    %dma_start3A_51 = arith.constant 3 : i32
    %dma_start3A_52 = arith.constant 0 : i32
    %dma_start3A_53 = arith.constant 0 : i32
    %dma_start3A_54 = tpu.memref_slice %arg9[%dma_start3A_51, %dma_start3A_52, %dma_start3A_53] : memref<4x128x48xf32, #tpu.memory_space<vmem>> -> memref<1x128x48xf32, #tpu.memory_space<vmem>>
    %dma_start3A_55 = tpu.memref_squeeze %dma_start3A_54 : memref<1x128x48xf32, #tpu.memory_space<vmem>> -> memref<128x48xf32, #tpu.memory_space<vmem>>
    %dma_start3A_56 = arith.constant 0 : i32
    %dma_start3A_57 = tpu.memref_slice %arg7[%dma_start3A_50, %dma_start3A_56] : memref<80x128xi32, #tpu.memory_space<vmem>> -> memref<1x128xi32, #tpu.memory_space<vmem>>
    %dma_start3A_58 = tpu.memref_squeeze %dma_start3A_57 : memref<1x128xi32, #tpu.memory_space<vmem>> -> memref<128xi32, #tpu.memory_space<vmem>>
    %dma_start3A_59 = arith.constant 0 : i32
    %dma_start3A_60 = arith.constant 0 : i32
    %dma_start3A_61 = tpu.memref_slice %arg15[%dma_start3A_59, %dma_start3A_60] : memref<10000x48xf32, #tpu.memory_space<vmem_shared>> -> memref<10000x48xf32, #tpu.memory_space<vmem_shared>>
    tpu.enqueue_indirect_dma source(%dma_start3A_61 : memref<10000x48xf32, #tpu.memory_space<vmem_shared>>) target(%dma_start3A_55 : memref<128x48xf32, #tpu.memory_space<vmem>>) offsets(%dma_start3A_58 : memref<128xi32, #tpu.memory_space<vmem>>) semaphore(%arg14 : memref<!tpu.dma_semaphore, #tpu.memory_space<semaphore_mem>>)
    %scan3A_62 = arith.constant 0 : i32
    %scan3A_63 = arith.constant 20 : i32
    %scan3A_64 = arith.addi %scan3A_62, %scan3A_63 : i32
    %scan3A_65 = arith.constant 1 : i32
    scf.for %scan3A_69 = %scan3A_62 to %scan3A_64 step %scan3A_65  : i32 {
      %mul3A_70 = arith.constant 4 : i32
      %mul3A_71 = arith.muli %scan3A_69, %mul3A_70 : i32
      %add3A_72 = arith.constant 0 : i32
      %add3A_73 = arith.addi %mul3A_71, %add3A_72 : i32
      %dma_wait3A = arith.constant 0 : i32
      %dma_wait3A_74 = arith.constant 0 : i32
      %dma_wait3A_75 = arith.constant 0 : i32
      %dma_wait3A_76 = tpu.memref_slice %arg9[%dma_wait3A, %dma_wait3A_74, %dma_wait3A_75] : memref<4x128x48xf32, #tpu.memory_space<vmem>> -> memref<1x128x48xf32, #tpu.memory_space<vmem>>
      %dma_wait3A_77 = tpu.memref_squeeze %dma_wait3A_76 : memref<1x128x48xf32, #tpu.memory_space<vmem>> -> memref<128x48xf32, #tpu.memory_space<vmem>>
      %dma_wait3A_78 = arith.constant 0 : i32
      %dma_wait3A_79 = tpu.memref_slice %arg7[%add3A_73, %dma_wait3A_78] : memref<80x128xi32, #tpu.memory_space<vmem>> -> memref<1x128xi32, #tpu.memory_space<vmem>>
      %dma_wait3A_80 = tpu.memref_squeeze %dma_wait3A_79 : memref<1x128xi32, #tpu.memory_space<vmem>> -> memref<128xi32, #tpu.memory_space<vmem>>
      %dma_wait3A_81 = arith.constant 0 : i32
      %dma_wait3A_82 = arith.constant 0 : i32
      %dma_wait3A_83 = tpu.memref_slice %arg15[%dma_wait3A_81, %dma_wait3A_82] : memref<10000x48xf32, #tpu.memory_space<vmem_shared>> -> memref<10000x48xf32, #tpu.memory_space<vmem_shared>>
      tpu.wait_indirect_dma semaphore(%arg11 : memref<!tpu.dma_semaphore, #tpu.memory_space<semaphore_mem>>) src(%dma_wait3A_83 : memref<10000x48xf32, #tpu.memory_space<vmem_shared>>) dst(%dma_wait3A_77 : memref<128x48xf32, #tpu.memory_space<vmem>>)
      %run_scoped3A = arith.constant 0 : i32
      "tpu.region"() ({
        %run_scoped3A_157 = tpu.sem_alloc : memref<!tpu.dma_semaphore, #tpu.memory_space<semaphore_mem>>
        %dma_start3A_158 = arith.constant 0 : i32
        %dma_start3A_159 = arith.constant 0 : i32
        %dma_start3A_160 = tpu.memref_slice %arg9[%run_scoped3A, %dma_start3A_158, %dma_start3A_159] : memref<4x128x48xf32, #tpu.memory_space<vmem>> -> memref<1x128x48xf32, #tpu.memory_space<vmem>>
        %dma_start3A_161 = tpu.memref_squeeze %dma_start3A_160 : memref<1x128x48xf32, #tpu.memory_space<vmem>> -> memref<128x48xf32, #tpu.memory_space<vmem>>
        %dma_start3A_162 = arith.constant 0 : i32
        %dma_start3A_163 = tpu.memref_slice %arg8[%add3A_73, %dma_start3A_162] : memref<80x128xi32, #tpu.memory_space<vmem>> -> memref<1x128xi32, #tpu.memory_space<vmem>>
        %dma_start3A_164 = tpu.memref_squeeze %dma_start3A_163 : memref<1x128xi32, #tpu.memory_space<vmem>> -> memref<128xi32, #tpu.memory_space<vmem>>
        %dma_start3A_165 = arith.constant 0 : i32
        %dma_start3A_166 = arith.constant 0 : i32
        %dma_start3A_167 = tpu.memref_slice %arg10[%dma_start3A_165, %dma_start3A_166] : memref<10016x48xf32, #tpu.memory_space<vmem_shared>> -> memref<10016x48xf32, #tpu.memory_space<vmem_shared>>
        tpu.enqueue_indirect_dma source(%dma_start3A_161 : memref<128x48xf32, #tpu.memory_space<vmem>>) target(%dma_start3A_167 : memref<10016x48xf32, #tpu.memory_space<vmem_shared>>) offsets(%dma_start3A_164 : memref<128xi32, #tpu.memory_space<vmem>>) semaphore(%run_scoped3A_157 : memref<!tpu.dma_semaphore, #tpu.memory_space<semaphore_mem>>) {add = true}
        %dma_wait3A_168 = arith.constant 0 : i32
        %dma_wait3A_169 = arith.constant 0 : i32
        %dma_wait3A_170 = tpu.memref_slice %arg9[%run_scoped3A, %dma_wait3A_168, %dma_wait3A_169] : memref<4x128x48xf32, #tpu.memory_space<vmem>> -> memref<1x128x48xf32, #tpu.memory_space<vmem>>
        %dma_wait3A_171 = tpu.memref_squeeze %dma_wait3A_170 : memref<1x128x48xf32, #tpu.memory_space<vmem>> -> memref<128x48xf32, #tpu.memory_space<vmem>>
        %dma_wait3A_172 = arith.constant 0 : i32
        %dma_wait3A_173 = tpu.memref_slice %arg8[%add3A_73, %dma_wait3A_172] : memref<80x128xi32, #tpu.memory_space<vmem>> -> memref<1x128xi32, #tpu.memory_space<vmem>>
        %dma_wait3A_174 = tpu.memref_squeeze %dma_wait3A_173 : memref<1x128xi32, #tpu.memory_space<vmem>> -> memref<128xi32, #tpu.memory_space<vmem>>
        %dma_wait3A_175 = arith.constant 0 : i32
        %dma_wait3A_176 = arith.constant 0 : i32
        %dma_wait3A_177 = tpu.memref_slice %arg10[%dma_wait3A_175, %dma_wait3A_176] : memref<10016x48xf32, #tpu.memory_space<vmem_shared>> -> memref<10016x48xf32, #tpu.memory_space<vmem_shared>>
        tpu.wait_indirect_dma semaphore(%run_scoped3A_157 : memref<!tpu.dma_semaphore, #tpu.memory_space<semaphore_mem>>) src(%dma_wait3A_171 : memref<128x48xf32, #tpu.memory_space<vmem>>) dst(%dma_wait3A_177 : memref<10016x48xf32, #tpu.memory_space<vmem_shared>>)
        tpu.yield
      }) : () -> ()
      %add3A_84 = arith.constant 4 : i32
      %add3A_85 = arith.addi %add3A_73, %add3A_84 : i32
      %lt3A = arith.constant 80 : i32
      %lt3A_86 = arith.cmpi slt, %add3A_85, %lt3A : i32
      %convert_element_type3A = arith.extui %lt3A_86 : i1 to i32
      %cond3A = arith.constant 0 : i32
      %cond3A_87 = arith.cmpi ne, %convert_element_type3A, %cond3A : i32
      scf.if %cond3A_87 {
        %add3A_157 = arith.constant 4 : i32
        %add3A_158 = arith.addi %add3A_73, %add3A_157 : i32
        %dma_start3A_159 = arith.constant 0 : i32
        %dma_start3A_160 = arith.constant 0 : i32
        %dma_start3A_161 = arith.constant 0 : i32
        %dma_start3A_162 = tpu.memref_slice %arg9[%dma_start3A_159, %dma_start3A_160, %dma_start3A_161] : memref<4x128x48xf32, #tpu.memory_space<vmem>> -> memref<1x128x48xf32, #tpu.memory_space<vmem>>
        %dma_start3A_163 = tpu.memref_squeeze %dma_start3A_162 : memref<1x128x48xf32, #tpu.memory_space<vmem>> -> memref<128x48xf32, #tpu.memory_space<vmem>>
        %dma_start3A_164 = arith.constant 0 : i32
        %dma_start3A_165 = tpu.memref_slice %arg7[%add3A_158, %dma_start3A_164] : memref<80x128xi32, #tpu.memory_space<vmem>> -> memref<1x128xi32, #tpu.memory_space<vmem>>
        %dma_start3A_166 = tpu.memref_squeeze %dma_start3A_165 : memref<1x128xi32, #tpu.memory_space<vmem>> -> memref<128xi32, #tpu.memory_space<vmem>>
        %dma_start3A_167 = arith.constant 0 : i32
        %dma_start3A_168 = arith.constant 0 : i32
        %dma_start3A_169 = tpu.memref_slice %arg15[%dma_start3A_167, %dma_start3A_168] : memref<10000x48xf32, #tpu.memory_space<vmem_shared>> -> memref<10000x48xf32, #tpu.memory_space<vmem_shared>>
        tpu.enqueue_indirect_dma source(%dma_start3A_169 : memref<10000x48xf32, #tpu.memory_space<vmem_shared>>) target(%dma_start3A_163 : memref<128x48xf32, #tpu.memory_space<vmem>>) offsets(%dma_start3A_166 : memref<128xi32, #tpu.memory_space<vmem>>) semaphore(%arg11 : memref<!tpu.dma_semaphore, #tpu.memory_space<semaphore_mem>>)
      } else {
      }
      %mul3A_88 = arith.constant 4 : i32
      %mul3A_89 = arith.muli %scan3A_69, %mul3A_88 : i32
      %add3A_90 = arith.constant 1 : i32
      %add3A_91 = arith.addi %mul3A_89, %add3A_90 : i32
      %dma_wait3A_92 = arith.constant 1 : i32
      %dma_wait3A_93 = arith.constant 0 : i32
      %dma_wait3A_94 = arith.constant 0 : i32
      %dma_wait3A_95 = tpu.memref_slice %arg9[%dma_wait3A_92, %dma_wait3A_93, %dma_wait3A_94] : memref<4x128x48xf32, #tpu.memory_space<vmem>> -> memref<1x128x48xf32, #tpu.memory_space<vmem>>
      %dma_wait3A_96 = tpu.memref_squeeze %dma_wait3A_95 : memref<1x128x48xf32, #tpu.memory_space<vmem>> -> memref<128x48xf32, #tpu.memory_space<vmem>>
      %dma_wait3A_97 = arith.constant 0 : i32
      %dma_wait3A_98 = tpu.memref_slice %arg7[%add3A_91, %dma_wait3A_97] : memref<80x128xi32, #tpu.memory_space<vmem>> -> memref<1x128xi32, #tpu.memory_space<vmem>>
      %dma_wait3A_99 = tpu.memref_squeeze %dma_wait3A_98 : memref<1x128xi32, #tpu.memory_space<vmem>> -> memref<128xi32, #tpu.memory_space<vmem>>
      %dma_wait3A_100 = arith.constant 0 : i32
      %dma_wait3A_101 = arith.constant 0 : i32
      %dma_wait3A_102 = tpu.memref_slice %arg15[%dma_wait3A_100, %dma_wait3A_101] : memref<10000x48xf32, #tpu.memory_space<vmem_shared>> -> memref<10000x48xf32, #tpu.memory_space<vmem_shared>>
      tpu.wait_indirect_dma semaphore(%arg12 : memref<!tpu.dma_semaphore, #tpu.memory_space<semaphore_mem>>) src(%dma_wait3A_102 : memref<10000x48xf32, #tpu.memory_space<vmem_shared>>) dst(%dma_wait3A_96 : memref<128x48xf32, #tpu.memory_space<vmem>>)
      %run_scoped3A_103 = arith.constant 1 : i32
      "tpu.region"() ({
        %run_scoped3A_157 = tpu.sem_alloc : memref<!tpu.dma_semaphore, #tpu.memory_space<semaphore_mem>>
        %dma_start3A_158 = arith.constant 0 : i32
        %dma_start3A_159 = arith.constant 0 : i32
        %dma_start3A_160 = tpu.memref_slice %arg9[%run_scoped3A_103, %dma_start3A_158, %dma_start3A_159] : memref<4x128x48xf32, #tpu.memory_space<vmem>> -> memref<1x128x48xf32, #tpu.memory_space<vmem>>
        %dma_start3A_161 = tpu.memref_squeeze %dma_start3A_160 : memref<1x128x48xf32, #tpu.memory_space<vmem>> -> memref<128x48xf32, #tpu.memory_space<vmem>>
        %dma_start3A_162 = arith.constant 0 : i32
        %dma_start3A_163 = tpu.memref_slice %arg8[%add3A_91, %dma_start3A_162] : memref<80x128xi32, #tpu.memory_space<vmem>> -> memref<1x128xi32, #tpu.memory_space<vmem>>
        %dma_start3A_164 = tpu.memref_squeeze %dma_start3A_163 : memref<1x128xi32, #tpu.memory_space<vmem>> -> memref<128xi32, #tpu.memory_space<vmem>>
        %dma_start3A_165 = arith.constant 0 : i32
        %dma_start3A_166 = arith.constant 0 : i32
        %dma_start3A_167 = tpu.memref_slice %arg10[%dma_start3A_165, %dma_start3A_166] : memref<10016x48xf32, #tpu.memory_space<vmem_shared>> -> memref<10016x48xf32, #tpu.memory_space<vmem_shared>>
        tpu.enqueue_indirect_dma source(%dma_start3A_161 : memref<128x48xf32, #tpu.memory_space<vmem>>) target(%dma_start3A_167 : memref<10016x48xf32, #tpu.memory_space<vmem_shared>>) offsets(%dma_start3A_164 : memref<128xi32, #tpu.memory_space<vmem>>) semaphore(%run_scoped3A_157 : memref<!tpu.dma_semaphore, #tpu.memory_space<semaphore_mem>>) {add = true}
        %dma_wait3A_168 = arith.constant 0 : i32
        %dma_wait3A_169 = arith.constant 0 : i32
        %dma_wait3A_170 = tpu.memref_slice %arg9[%run_scoped3A_103, %dma_wait3A_168, %dma_wait3A_169] : memref<4x128x48xf32, #tpu.memory_space<vmem>> -> memref<1x128x48xf32, #tpu.memory_space<vmem>>
        %dma_wait3A_171 = tpu.memref_squeeze %dma_wait3A_170 : memref<1x128x48xf32, #tpu.memory_space<vmem>> -> memref<128x48xf32, #tpu.memory_space<vmem>>
        %dma_wait3A_172 = arith.constant 0 : i32
        %dma_wait3A_173 = tpu.memref_slice %arg8[%add3A_91, %dma_wait3A_172] : memref<80x128xi32, #tpu.memory_space<vmem>> -> memref<1x128xi32, #tpu.memory_space<vmem>>
        %dma_wait3A_174 = tpu.memref_squeeze %dma_wait3A_173 : memref<1x128xi32, #tpu.memory_space<vmem>> -> memref<128xi32, #tpu.memory_space<vmem>>
        %dma_wait3A_175 = arith.constant 0 : i32
        %dma_wait3A_176 = arith.constant 0 : i32
        %dma_wait3A_177 = tpu.memref_slice %arg10[%dma_wait3A_175, %dma_wait3A_176] : memref<10016x48xf32, #tpu.memory_space<vmem_shared>> -> memref<10016x48xf32, #tpu.memory_space<vmem_shared>>
        tpu.wait_indirect_dma semaphore(%run_scoped3A_157 : memref<!tpu.dma_semaphore, #tpu.memory_space<semaphore_mem>>) src(%dma_wait3A_171 : memref<128x48xf32, #tpu.memory_space<vmem>>) dst(%dma_wait3A_177 : memref<10016x48xf32, #tpu.memory_space<vmem_shared>>)
        tpu.yield
      }) : () -> ()
      %add3A_104 = arith.constant 4 : i32
      %add3A_105 = arith.addi %add3A_91, %add3A_104 : i32
      %lt3A_106 = arith.constant 80 : i32
      %lt3A_107 = arith.cmpi slt, %add3A_105, %lt3A_106 : i32
      %convert_element_type3A_108 = arith.extui %lt3A_107 : i1 to i32
      %cond3A_109 = arith.constant 0 : i32
      %cond3A_110 = arith.cmpi ne, %convert_element_type3A_108, %cond3A_109 : i32
      scf.if %cond3A_110 {
        %add3A_157 = arith.constant 4 : i32
        %add3A_158 = arith.addi %add3A_91, %add3A_157 : i32
        %dma_start3A_159 = arith.constant 1 : i32
        %dma_start3A_160 = arith.constant 0 : i32
        %dma_start3A_161 = arith.constant 0 : i32
        %dma_start3A_162 = tpu.memref_slice %arg9[%dma_start3A_159, %dma_start3A_160, %dma_start3A_161] : memref<4x128x48xf32, #tpu.memory_space<vmem>> -> memref<1x128x48xf32, #tpu.memory_space<vmem>>
        %dma_start3A_163 = tpu.memref_squeeze %dma_start3A_162 : memref<1x128x48xf32, #tpu.memory_space<vmem>> -> memref<128x48xf32, #tpu.memory_space<vmem>>
        %dma_start3A_164 = arith.constant 0 : i32
        %dma_start3A_165 = tpu.memref_slice %arg7[%add3A_158, %dma_start3A_164] : memref<80x128xi32, #tpu.memory_space<vmem>> -> memref<1x128xi32, #tpu.memory_space<vmem>>
        %dma_start3A_166 = tpu.memref_squeeze %dma_start3A_165 : memref<1x128xi32, #tpu.memory_space<vmem>> -> memref<128xi32, #tpu.memory_space<vmem>>
        %dma_start3A_167 = arith.constant 0 : i32
        %dma_start3A_168 = arith.constant 0 : i32
        %dma_start3A_169 = tpu.memref_slice %arg15[%dma_start3A_167, %dma_start3A_168] : memref<10000x48xf32, #tpu.memory_space<vmem_shared>> -> memref<10000x48xf32, #tpu.memory_space<vmem_shared>>
        tpu.enqueue_indirect_dma source(%dma_start3A_169 : memref<10000x48xf32, #tpu.memory_space<vmem_shared>>) target(%dma_start3A_163 : memref<128x48xf32, #tpu.memory_space<vmem>>) offsets(%dma_start3A_166 : memref<128xi32, #tpu.memory_space<vmem>>) semaphore(%arg12 : memref<!tpu.dma_semaphore, #tpu.memory_space<semaphore_mem>>)
      } else {
      }
      %mul3A_111 = arith.constant 4 : i32
      %mul3A_112 = arith.muli %scan3A_69, %mul3A_111 : i32
      %add3A_113 = arith.constant 2 : i32
      %add3A_114 = arith.addi %mul3A_112, %add3A_113 : i32
      %dma_wait3A_115 = arith.constant 2 : i32
      %dma_wait3A_116 = arith.constant 0 : i32
      %dma_wait3A_117 = arith.constant 0 : i32
      %dma_wait3A_118 = tpu.memref_slice %arg9[%dma_wait3A_115, %dma_wait3A_116, %dma_wait3A_117] : memref<4x128x48xf32, #tpu.memory_space<vmem>> -> memref<1x128x48xf32, #tpu.memory_space<vmem>>
      %dma_wait3A_119 = tpu.memref_squeeze %dma_wait3A_118 : memref<1x128x48xf32, #tpu.memory_space<vmem>> -> memref<128x48xf32, #tpu.memory_space<vmem>>
      %dma_wait3A_120 = arith.constant 0 : i32
      %dma_wait3A_121 = tpu.memref_slice %arg7[%add3A_114, %dma_wait3A_120] : memref<80x128xi32, #tpu.memory_space<vmem>> -> memref<1x128xi32, #tpu.memory_space<vmem>>
      %dma_wait3A_122 = tpu.memref_squeeze %dma_wait3A_121 : memref<1x128xi32, #tpu.memory_space<vmem>> -> memref<128xi32, #tpu.memory_space<vmem>>
      %dma_wait3A_123 = arith.constant 0 : i32
      %dma_wait3A_124 = arith.constant 0 : i32
      %dma_wait3A_125 = tpu.memref_slice %arg15[%dma_wait3A_123, %dma_wait3A_124] : memref<10000x48xf32, #tpu.memory_space<vmem_shared>> -> memref<10000x48xf32, #tpu.memory_space<vmem_shared>>
      tpu.wait_indirect_dma semaphore(%arg13 : memref<!tpu.dma_semaphore, #tpu.memory_space<semaphore_mem>>) src(%dma_wait3A_125 : memref<10000x48xf32, #tpu.memory_space<vmem_shared>>) dst(%dma_wait3A_119 : memref<128x48xf32, #tpu.memory_space<vmem>>)
      %run_scoped3A_126 = arith.constant 2 : i32
      "tpu.region"() ({
        %run_scoped3A_157 = tpu.sem_alloc : memref<!tpu.dma_semaphore, #tpu.memory_space<semaphore_mem>>
        %dma_start3A_158 = arith.constant 0 : i32
        %dma_start3A_159 = arith.constant 0 : i32
        %dma_start3A_160 = tpu.memref_slice %arg9[%run_scoped3A_126, %dma_start3A_158, %dma_start3A_159] : memref<4x128x48xf32, #tpu.memory_space<vmem>> -> memref<1x128x48xf32, #tpu.memory_space<vmem>>
        %dma_start3A_161 = tpu.memref_squeeze %dma_start3A_160 : memref<1x128x48xf32, #tpu.memory_space<vmem>> -> memref<128x48xf32, #tpu.memory_space<vmem>>
        %dma_start3A_162 = arith.constant 0 : i32
        %dma_start3A_163 = tpu.memref_slice %arg8[%add3A_114, %dma_start3A_162] : memref<80x128xi32, #tpu.memory_space<vmem>> -> memref<1x128xi32, #tpu.memory_space<vmem>>
        %dma_start3A_164 = tpu.memref_squeeze %dma_start3A_163 : memref<1x128xi32, #tpu.memory_space<vmem>> -> memref<128xi32, #tpu.memory_space<vmem>>
        %dma_start3A_165 = arith.constant 0 : i32
        %dma_start3A_166 = arith.constant 0 : i32
        %dma_start3A_167 = tpu.memref_slice %arg10[%dma_start3A_165, %dma_start3A_166] : memref<10016x48xf32, #tpu.memory_space<vmem_shared>> -> memref<10016x48xf32, #tpu.memory_space<vmem_shared>>
        tpu.enqueue_indirect_dma source(%dma_start3A_161 : memref<128x48xf32, #tpu.memory_space<vmem>>) target(%dma_start3A_167 : memref<10016x48xf32, #tpu.memory_space<vmem_shared>>) offsets(%dma_start3A_164 : memref<128xi32, #tpu.memory_space<vmem>>) semaphore(%run_scoped3A_157 : memref<!tpu.dma_semaphore, #tpu.memory_space<semaphore_mem>>) {add = true}
        %dma_wait3A_168 = arith.constant 0 : i32
        %dma_wait3A_169 = arith.constant 0 : i32
        %dma_wait3A_170 = tpu.memref_slice %arg9[%run_scoped3A_126, %dma_wait3A_168, %dma_wait3A_169] : memref<4x128x48xf32, #tpu.memory_space<vmem>> -> memref<1x128x48xf32, #tpu.memory_space<vmem>>
        %dma_wait3A_171 = tpu.memref_squeeze %dma_wait3A_170 : memref<1x128x48xf32, #tpu.memory_space<vmem>> -> memref<128x48xf32, #tpu.memory_space<vmem>>
        %dma_wait3A_172 = arith.constant 0 : i32
        %dma_wait3A_173 = tpu.memref_slice %arg8[%add3A_114, %dma_wait3A_172] : memref<80x128xi32, #tpu.memory_space<vmem>> -> memref<1x128xi32, #tpu.memory_space<vmem>>
        %dma_wait3A_174 = tpu.memref_squeeze %dma_wait3A_173 : memref<1x128xi32, #tpu.memory_space<vmem>> -> memref<128xi32, #tpu.memory_space<vmem>>
        %dma_wait3A_175 = arith.constant 0 : i32
        %dma_wait3A_176 = arith.constant 0 : i32
        %dma_wait3A_177 = tpu.memref_slice %arg10[%dma_wait3A_175, %dma_wait3A_176] : memref<10016x48xf32, #tpu.memory_space<vmem_shared>> -> memref<10016x48xf32, #tpu.memory_space<vmem_shared>>
        tpu.wait_indirect_dma semaphore(%run_scoped3A_157 : memref<!tpu.dma_semaphore, #tpu.memory_space<semaphore_mem>>) src(%dma_wait3A_171 : memref<128x48xf32, #tpu.memory_space<vmem>>) dst(%dma_wait3A_177 : memref<10016x48xf32, #tpu.memory_space<vmem_shared>>)
        tpu.yield
      }) : () -> ()
      %add3A_127 = arith.constant 4 : i32
      %add3A_128 = arith.addi %add3A_114, %add3A_127 : i32
      %lt3A_129 = arith.constant 80 : i32
      %lt3A_130 = arith.cmpi slt, %add3A_128, %lt3A_129 : i32
      %convert_element_type3A_131 = arith.extui %lt3A_130 : i1 to i32
      %cond3A_132 = arith.constant 0 : i32
      %cond3A_133 = arith.cmpi ne, %convert_element_type3A_131, %cond3A_132 : i32
      scf.if %cond3A_133 {
        %add3A_157 = arith.constant 4 : i32
        %add3A_158 = arith.addi %add3A_114, %add3A_157 : i32
        %dma_start3A_159 = arith.constant 2 : i32
        %dma_start3A_160 = arith.constant 0 : i32
        %dma_start3A_161 = arith.constant 0 : i32
        %dma_start3A_162 = tpu.memref_slice %arg9[%dma_start3A_159, %dma_start3A_160, %dma_start3A_161] : memref<4x128x48xf32, #tpu.memory_space<vmem>> -> memref<1x128x48xf32, #tpu.memory_space<vmem>>
        %dma_start3A_163 = tpu.memref_squeeze %dma_start3A_162 : memref<1x128x48xf32, #tpu.memory_space<vmem>> -> memref<128x48xf32, #tpu.memory_space<vmem>>
        %dma_start3A_164 = arith.constant 0 : i32
        %dma_start3A_165 = tpu.memref_slice %arg7[%add3A_158, %dma_start3A_164] : memref<80x128xi32, #tpu.memory_space<vmem>> -> memref<1x128xi32, #tpu.memory_space<vmem>>
        %dma_start3A_166 = tpu.memref_squeeze %dma_start3A_165 : memref<1x128xi32, #tpu.memory_space<vmem>> -> memref<128xi32, #tpu.memory_space<vmem>>
        %dma_start3A_167 = arith.constant 0 : i32
        %dma_start3A_168 = arith.constant 0 : i32
        %dma_start3A_169 = tpu.memref_slice %arg15[%dma_start3A_167, %dma_start3A_168] : memref<10000x48xf32, #tpu.memory_space<vmem_shared>> -> memref<10000x48xf32, #tpu.memory_space<vmem_shared>>
        tpu.enqueue_indirect_dma source(%dma_start3A_169 : memref<10000x48xf32, #tpu.memory_space<vmem_shared>>) target(%dma_start3A_163 : memref<128x48xf32, #tpu.memory_space<vmem>>) offsets(%dma_start3A_166 : memref<128xi32, #tpu.memory_space<vmem>>) semaphore(%arg13 : memref<!tpu.dma_semaphore, #tpu.memory_space<semaphore_mem>>)
      } else {
      }
      %mul3A_134 = arith.constant 4 : i32
      %mul3A_135 = arith.muli %scan3A_69, %mul3A_134 : i32
      %add3A_136 = arith.constant 3 : i32
      %add3A_137 = arith.addi %mul3A_135, %add3A_136 : i32
      %dma_wait3A_138 = arith.constant 3 : i32
      %dma_wait3A_139 = arith.constant 0 : i32
      %dma_wait3A_140 = arith.constant 0 : i32
      %dma_wait3A_141 = tpu.memref_slice %arg9[%dma_wait3A_138, %dma_wait3A_139, %dma_wait3A_140] : memref<4x128x48xf32, #tpu.memory_space<vmem>> -> memref<1x128x48xf32, #tpu.memory_space<vmem>>
      %dma_wait3A_142 = tpu.memref_squeeze %dma_wait3A_141 : memref<1x128x48xf32, #tpu.memory_space<vmem>> -> memref<128x48xf32, #tpu.memory_space<vmem>>
      %dma_wait3A_143 = arith.constant 0 : i32
      %dma_wait3A_144 = tpu.memref_slice %arg7[%add3A_137, %dma_wait3A_143] : memref<80x128xi32, #tpu.memory_space<vmem>> -> memref<1x128xi32, #tpu.memory_space<vmem>>
      %dma_wait3A_145 = tpu.memref_squeeze %dma_wait3A_144 : memref<1x128xi32, #tpu.memory_space<vmem>> -> memref<128xi32, #tpu.memory_space<vmem>>
      %dma_wait3A_146 = arith.constant 0 : i32
      %dma_wait3A_147 = arith.constant 0 : i32
      %dma_wait3A_148 = tpu.memref_slice %arg15[%dma_wait3A_146, %dma_wait3A_147] : memref<10000x48xf32, #tpu.memory_space<vmem_shared>> -> memref<10000x48xf32, #tpu.memory_space<vmem_shared>>
      tpu.wait_indirect_dma semaphore(%arg14 : memref<!tpu.dma_semaphore, #tpu.memory_space<semaphore_mem>>) src(%dma_wait3A_148 : memref<10000x48xf32, #tpu.memory_space<vmem_shared>>) dst(%dma_wait3A_142 : memref<128x48xf32, #tpu.memory_space<vmem>>)
      %run_scoped3A_149 = arith.constant 3 : i32
      "tpu.region"() ({
        %run_scoped3A_157 = tpu.sem_alloc : memref<!tpu.dma_semaphore, #tpu.memory_space<semaphore_mem>>
        %dma_start3A_158 = arith.constant 0 : i32
        %dma_start3A_159 = arith.constant 0 : i32
        %dma_start3A_160 = tpu.memref_slice %arg9[%run_scoped3A_149, %dma_start3A_158, %dma_start3A_159] : memref<4x128x48xf32, #tpu.memory_space<vmem>> -> memref<1x128x48xf32, #tpu.memory_space<vmem>>
        %dma_start3A_161 = tpu.memref_squeeze %dma_start3A_160 : memref<1x128x48xf32, #tpu.memory_space<vmem>> -> memref<128x48xf32, #tpu.memory_space<vmem>>
        %dma_start3A_162 = arith.constant 0 : i32
        %dma_start3A_163 = tpu.memref_slice %arg8[%add3A_137, %dma_start3A_162] : memref<80x128xi32, #tpu.memory_space<vmem>> -> memref<1x128xi32, #tpu.memory_space<vmem>>
        %dma_start3A_164 = tpu.memref_squeeze %dma_start3A_163 : memref<1x128xi32, #tpu.memory_space<vmem>> -> memref<128xi32, #tpu.memory_space<vmem>>
        %dma_start3A_165 = arith.constant 0 : i32
        %dma_start3A_166 = arith.constant 0 : i32
        %dma_start3A_167 = tpu.memref_slice %arg10[%dma_start3A_165, %dma_start3A_166] : memref<10016x48xf32, #tpu.memory_space<vmem_shared>> -> memref<10016x48xf32, #tpu.memory_space<vmem_shared>>
        tpu.enqueue_indirect_dma source(%dma_start3A_161 : memref<128x48xf32, #tpu.memory_space<vmem>>) target(%dma_start3A_167 : memref<10016x48xf32, #tpu.memory_space<vmem_shared>>) offsets(%dma_start3A_164 : memref<128xi32, #tpu.memory_space<vmem>>) semaphore(%run_scoped3A_157 : memref<!tpu.dma_semaphore, #tpu.memory_space<semaphore_mem>>) {add = true}
        %dma_wait3A_168 = arith.constant 0 : i32
        %dma_wait3A_169 = arith.constant 0 : i32
        %dma_wait3A_170 = tpu.memref_slice %arg9[%run_scoped3A_149, %dma_wait3A_168, %dma_wait3A_169] : memref<4x128x48xf32, #tpu.memory_space<vmem>> -> memref<1x128x48xf32, #tpu.memory_space<vmem>>
        %dma_wait3A_171 = tpu.memref_squeeze %dma_wait3A_170 : memref<1x128x48xf32, #tpu.memory_space<vmem>> -> memref<128x48xf32, #tpu.memory_space<vmem>>
        %dma_wait3A_172 = arith.constant 0 : i32
        %dma_wait3A_173 = tpu.memref_slice %arg8[%add3A_137, %dma_wait3A_172] : memref<80x128xi32, #tpu.memory_space<vmem>> -> memref<1x128xi32, #tpu.memory_space<vmem>>
        %dma_wait3A_174 = tpu.memref_squeeze %dma_wait3A_173 : memref<1x128xi32, #tpu.memory_space<vmem>> -> memref<128xi32, #tpu.memory_space<vmem>>
        %dma_wait3A_175 = arith.constant 0 : i32
        %dma_wait3A_176 = arith.constant 0 : i32
        %dma_wait3A_177 = tpu.memref_slice %arg10[%dma_wait3A_175, %dma_wait3A_176] : memref<10016x48xf32, #tpu.memory_space<vmem_shared>> -> memref<10016x48xf32, #tpu.memory_space<vmem_shared>>
        tpu.wait_indirect_dma semaphore(%run_scoped3A_157 : memref<!tpu.dma_semaphore, #tpu.memory_space<semaphore_mem>>) src(%dma_wait3A_171 : memref<128x48xf32, #tpu.memory_space<vmem>>) dst(%dma_wait3A_177 : memref<10016x48xf32, #tpu.memory_space<vmem_shared>>)
        tpu.yield
      }) : () -> ()
      %add3A_150 = arith.constant 4 : i32
      %add3A_151 = arith.addi %add3A_137, %add3A_150 : i32
      %lt3A_152 = arith.constant 80 : i32
      %lt3A_153 = arith.cmpi slt, %add3A_151, %lt3A_152 : i32
      %convert_element_type3A_154 = arith.extui %lt3A_153 : i1 to i32
      %cond3A_155 = arith.constant 0 : i32
      %cond3A_156 = arith.cmpi ne, %convert_element_type3A_154, %cond3A_155 : i32
      scf.if %cond3A_156 {
        %add3A_157 = arith.constant 4 : i32
        %add3A_158 = arith.addi %add3A_137, %add3A_157 : i32
        %dma_start3A_159 = arith.constant 3 : i32
        %dma_start3A_160 = arith.constant 0 : i32
        %dma_start3A_161 = arith.constant 0 : i32
        %dma_start3A_162 = tpu.memref_slice %arg9[%dma_start3A_159, %dma_start3A_160, %dma_start3A_161] : memref<4x128x48xf32, #tpu.memory_space<vmem>> -> memref<1x128x48xf32, #tpu.memory_space<vmem>>
        %dma_start3A_163 = tpu.memref_squeeze %dma_start3A_162 : memref<1x128x48xf32, #tpu.memory_space<vmem>> -> memref<128x48xf32, #tpu.memory_space<vmem>>
        %dma_start3A_164 = arith.constant 0 : i32
        %dma_start3A_165 = tpu.memref_slice %arg7[%add3A_158, %dma_start3A_164] : memref<80x128xi32, #tpu.memory_space<vmem>> -> memref<1x128xi32, #tpu.memory_space<vmem>>
        %dma_start3A_166 = tpu.memref_squeeze %dma_start3A_165 : memref<1x128xi32, #tpu.memory_space<vmem>> -> memref<128xi32, #tpu.memory_space<vmem>>
        %dma_start3A_167 = arith.constant 0 : i32
        %dma_start3A_168 = arith.constant 0 : i32
        %dma_start3A_169 = tpu.memref_slice %arg15[%dma_start3A_167, %dma_start3A_168] : memref<10000x48xf32, #tpu.memory_space<vmem_shared>> -> memref<10000x48xf32, #tpu.memory_space<vmem_shared>>
        tpu.enqueue_indirect_dma source(%dma_start3A_169 : memref<10000x48xf32, #tpu.memory_space<vmem_shared>>) target(%dma_start3A_163 : memref<128x48xf32, #tpu.memory_space<vmem>>) offsets(%dma_start3A_166 : memref<128xi32, #tpu.memory_space<vmem>>) semaphore(%arg14 : memref<!tpu.dma_semaphore, #tpu.memory_space<semaphore_mem>>)
      } else {
      }
    }
    %scan3A_66 = arith.constant 20 : i32
    %scan3A_67 = arith.constant 1 : i32
    %barrier3A_68 = arith.constant 0 : index
    tpu.barrier barrier_id(%barrier3A_68)
    "tpu.region"() ({
      %run_scoped3A = tpu.sem_alloc : memref<!tpu.dma_semaphore, #tpu.memory_space<semaphore_mem>>
      %dma_start3A_69 = arith.constant 0 : i32
      %dma_start3A_70 = tpu.memref_slice %arg6[%arg0, %mul3A_0, %dma_start3A_69] : memref<2x10016x48xf32, #tpu.memory_space<hbm>> -> memref<1x626x48xf32, #tpu.memory_space<hbm>>
      %dma_start3A_71 = tpu.memref_squeeze %dma_start3A_70 : memref<1x626x48xf32, #tpu.memory_space<hbm>> -> memref<626x48xf32, #tpu.memory_space<hbm>>
      %dma_start3A_72 = arith.constant 0 : i32
      %dma_start3A_73 = tpu.memref_slice %arg10[%mul3A_0, %dma_start3A_72] : memref<10016x48xf32, #tpu.memory_space<vmem_shared>> -> memref<626x48xf32, #tpu.memory_space<vmem_shared>>
      tpu.enqueue_dma source(%dma_start3A_73 : memref<626x48xf32, #tpu.memory_space<vmem_shared>>) target(%dma_start3A_71 : memref<626x48xf32, #tpu.memory_space<hbm>>) target_semaphore(%run_scoped3A : memref<!tpu.dma_semaphore, #tpu.memory_space<semaphore_mem>>)
      %dma_wait3A = arith.constant 0 : i32
      %dma_wait3A_74 = tpu.memref_slice %arg6[%arg0, %mul3A_0, %dma_wait3A] : memref<2x10016x48xf32, #tpu.memory_space<hbm>> -> memref<1x626x48xf32, #tpu.memory_space<hbm>>
      %dma_wait3A_75 = tpu.memref_squeeze %dma_wait3A_74 : memref<1x626x48xf32, #tpu.memory_space<hbm>> -> memref<626x48xf32, #tpu.memory_space<hbm>>
      %dma_wait3A_76 = arith.constant 0 : i32
      %dma_wait3A_77 = tpu.memref_slice %arg10[%mul3A_0, %dma_wait3A_76] : memref<10016x48xf32, #tpu.memory_space<vmem_shared>> -> memref<626x48xf32, #tpu.memory_space<vmem_shared>>
      tpu.wait_dma2 semaphore(%run_scoped3A : memref<!tpu.dma_semaphore, #tpu.memory_space<semaphore_mem>>) src(%dma_wait3A_77 : memref<626x48xf32, #tpu.memory_space<vmem_shared>>) dst(%dma_wait3A_75 : memref<626x48xf32, #tpu.memory_space<hbm>>)
      tpu.yield
    }) : () -> ()
    return
  }
}

#map = affine_map<(d0, d1) -> (0, 0)>
#map1 = affine_map<(d0, d1) -> (0, 0, 0)>
module attributes {stable_mosaic.version = 14 : i64} {
  func.func @sc_scatter(%arg0: i32, %arg1: i32, %arg2: memref<10000x64xf32, #tpu.memory_space<hbm>>, %arg3: memref<10000x64xf32, #tpu.memory_space<hbm>>, %arg4: memref<16x160x128xi32, #tpu.memory_space<hbm>>, %arg5: memref<16x160x128xi32, #tpu.memory_space<hbm>>, %arg6: memref<10016x64xf32, #tpu.memory_space<hbm>>, %arg7: memref<10016x16xf32, #tpu.memory_space<hbm>>, %arg8: memref<128x16xf32, #tpu.memory_space<hbm>>, %arg9: memref<2x10016x64xf32, #tpu.memory_space<hbm>>, %arg10: memref<2x10016x16xf32, #tpu.memory_space<hbm>>, %arg11: memref<8x128xi32, #tpu.memory_space<vmem>>, %arg12: memref<8x128xi32, #tpu.memory_space<vmem>>, %arg13: memref<4x128x64xf32, #tpu.memory_space<vmem>>, %arg14: memref<128x16xf32, #tpu.memory_space<vmem>>, %arg15: memref<10016x64xf32, #tpu.memory_space<vmem_shared>>, %arg16: memref<10016x16xf32, #tpu.memory_space<vmem_shared>>, %arg17: memref<10000x64xf32, #tpu.memory_space<vmem_shared>>, %arg18: memref<!tpu.dma_semaphore, #tpu.memory_space<semaphore_mem>>, %arg19: memref<!tpu.dma_semaphore, #tpu.memory_space<semaphore_mem>>, %arg20: memref<!tpu.dma_semaphore, #tpu.memory_space<semaphore_mem>>, %arg21: memref<!tpu.dma_semaphore, #tpu.memory_space<semaphore_mem>>) attributes {dimension_semantics = [#tpu.dimension_semantics<core_parallel>, #tpu.dimension_semantics<subcore_parallel>], iteration_bounds = array<i64: 2, 16>, scalar_prefetch = 0 : i64, scratch_operands = 11 : i64, tpu.core_type = #tpu.core_type<sc_vector_subcore>, window_params = [{transform_indices = #map}, {transform_indices = #map}, {transform_indices = #map1}, {transform_indices = #map1}, {transform_indices = #map}, {transform_indices = #map}, {transform_indices = #map}, {transform_indices = #map1}, {transform_indices = #map1}]} {
    %mul3A = arith.constant 626 : i32
    %mul3A_0 = arith.muli %arg1, %mul3A : i32
    "tpu.region"() ({
      %run_scoped3A = tpu.sem_alloc : memref<!tpu.dma_semaphore, #tpu.memory_space<semaphore_mem>>
      %dma_start3A = arith.constant 0 : i32
      %dma_start3A_14 = tpu.memref_slice %arg15[%mul3A_0, %dma_start3A] : memref<10016x64xf32, #tpu.memory_space<vmem_shared>> -> memref<626x64xf32, #tpu.memory_space<vmem_shared>>
      %dma_start3A_15 = arith.constant 0 : i32
      %dma_start3A_16 = tpu.memref_slice %arg6[%mul3A_0, %dma_start3A_15] : memref<10016x64xf32, #tpu.memory_space<hbm>> -> memref<626x64xf32, #tpu.memory_space<hbm>>
      tpu.enqueue_dma source(%dma_start3A_16 : memref<626x64xf32, #tpu.memory_space<hbm>>) target(%dma_start3A_14 : memref<626x64xf32, #tpu.memory_space<vmem_shared>>) target_semaphore(%run_scoped3A : memref<!tpu.dma_semaphore, #tpu.memory_space<semaphore_mem>>)
      %dma_wait3A = arith.constant 0 : i32
      %dma_wait3A_17 = tpu.memref_slice %arg15[%mul3A_0, %dma_wait3A] : memref<10016x64xf32, #tpu.memory_space<vmem_shared>> -> memref<626x64xf32, #tpu.memory_space<vmem_shared>>
      %dma_wait3A_18 = arith.constant 0 : i32
      %dma_wait3A_19 = tpu.memref_slice %arg6[%mul3A_0, %dma_wait3A_18] : memref<10016x64xf32, #tpu.memory_space<hbm>> -> memref<626x64xf32, #tpu.memory_space<hbm>>
      tpu.wait_dma2 semaphore(%run_scoped3A : memref<!tpu.dma_semaphore, #tpu.memory_space<semaphore_mem>>) src(%dma_wait3A_19 : memref<626x64xf32, #tpu.memory_space<hbm>>) dst(%dma_wait3A_17 : memref<626x64xf32, #tpu.memory_space<vmem_shared>>)
      tpu.yield
    }) : () -> ()
    "tpu.region"() ({
      %run_scoped3A = tpu.sem_alloc : memref<!tpu.dma_semaphore, #tpu.memory_space<semaphore_mem>>
      %dma_start3A = arith.constant 0 : i32
      %dma_start3A_14 = tpu.memref_slice %arg16[%mul3A_0, %dma_start3A] : memref<10016x16xf32, #tpu.memory_space<vmem_shared>> -> memref<626x16xf32, #tpu.memory_space<vmem_shared>>
      %dma_start3A_15 = arith.constant 0 : i32
      %dma_start3A_16 = tpu.memref_slice %arg7[%mul3A_0, %dma_start3A_15] : memref<10016x16xf32, #tpu.memory_space<hbm>> -> memref<626x16xf32, #tpu.memory_space<hbm>>
      tpu.enqueue_dma source(%dma_start3A_16 : memref<626x16xf32, #tpu.memory_space<hbm>>) target(%dma_start3A_14 : memref<626x16xf32, #tpu.memory_space<vmem_shared>>) target_semaphore(%run_scoped3A : memref<!tpu.dma_semaphore, #tpu.memory_space<semaphore_mem>>)
      %dma_wait3A = arith.constant 0 : i32
      %dma_wait3A_17 = tpu.memref_slice %arg16[%mul3A_0, %dma_wait3A] : memref<10016x16xf32, #tpu.memory_space<vmem_shared>> -> memref<626x16xf32, #tpu.memory_space<vmem_shared>>
      %dma_wait3A_18 = arith.constant 0 : i32
      %dma_wait3A_19 = tpu.memref_slice %arg7[%mul3A_0, %dma_wait3A_18] : memref<10016x16xf32, #tpu.memory_space<hbm>> -> memref<626x16xf32, #tpu.memory_space<hbm>>
      tpu.wait_dma2 semaphore(%run_scoped3A : memref<!tpu.dma_semaphore, #tpu.memory_space<semaphore_mem>>) src(%dma_wait3A_19 : memref<626x16xf32, #tpu.memory_space<hbm>>) dst(%dma_wait3A_17 : memref<626x16xf32, #tpu.memory_space<vmem_shared>>)
      tpu.yield
    }) : () -> ()
    "tpu.region"() ({
      %run_scoped3A = tpu.sem_alloc : memref<!tpu.dma_semaphore, #tpu.memory_space<semaphore_mem>>
      tpu.enqueue_dma source(%arg8 : memref<128x16xf32, #tpu.memory_space<hbm>>) target(%arg14 : memref<128x16xf32, #tpu.memory_space<vmem>>) target_semaphore(%run_scoped3A : memref<!tpu.dma_semaphore, #tpu.memory_space<semaphore_mem>>)
      tpu.wait_dma2 semaphore(%run_scoped3A : memref<!tpu.dma_semaphore, #tpu.memory_space<semaphore_mem>>) src(%arg8 : memref<128x16xf32, #tpu.memory_space<hbm>>) dst(%arg14 : memref<128x16xf32, #tpu.memory_space<vmem>>)
      tpu.yield
    }) : () -> ()
    %eq3A = arith.constant 0 : i32
    %eq3A_1 = arith.cmpi eq, %arg0, %eq3A : i32
    %convert_element_type3A = arith.extui %eq3A_1 : i1 to i32
    %cond3A = arith.constant 0 : i32
    %cond3A_2 = arith.cmpi ne, %convert_element_type3A, %cond3A : i32
    scf.if %cond3A_2 {
      %mul3A_14 = arith.constant 625 : i32
      %mul3A_15 = arith.muli %arg1, %mul3A_14 : i32
      %mul3A_16 = arith.constant 625 : i32
      %mul3A_17 = arith.muli %arg1, %mul3A_16 : i32
      "tpu.region"() ({
        %run_scoped3A = tpu.sem_alloc : memref<!tpu.dma_semaphore, #tpu.memory_space<semaphore_mem>>
        %dma_start3A = arith.constant 0 : i32
        %dma_start3A_18 = tpu.memref_slice %arg17[%mul3A_17, %dma_start3A] : memref<10000x64xf32, #tpu.memory_space<vmem_shared>> -> memref<625x64xf32, #tpu.memory_space<vmem_shared>>
        %dma_start3A_19 = arith.constant 0 : i32
        %dma_start3A_20 = tpu.memref_slice %arg2[%mul3A_15, %dma_start3A_19] : memref<10000x64xf32, #tpu.memory_space<hbm>> -> memref<625x64xf32, #tpu.memory_space<hbm>>
        tpu.enqueue_dma source(%dma_start3A_20 : memref<625x64xf32, #tpu.memory_space<hbm>>) target(%dma_start3A_18 : memref<625x64xf32, #tpu.memory_space<vmem_shared>>) target_semaphore(%run_scoped3A : memref<!tpu.dma_semaphore, #tpu.memory_space<semaphore_mem>>)
        %dma_wait3A = arith.constant 0 : i32
        %dma_wait3A_21 = tpu.memref_slice %arg17[%mul3A_17, %dma_wait3A] : memref<10000x64xf32, #tpu.memory_space<vmem_shared>> -> memref<625x64xf32, #tpu.memory_space<vmem_shared>>
        %dma_wait3A_22 = arith.constant 0 : i32
        %dma_wait3A_23 = tpu.memref_slice %arg2[%mul3A_15, %dma_wait3A_22] : memref<10000x64xf32, #tpu.memory_space<hbm>> -> memref<625x64xf32, #tpu.memory_space<hbm>>
        tpu.wait_dma2 semaphore(%run_scoped3A : memref<!tpu.dma_semaphore, #tpu.memory_space<semaphore_mem>>) src(%dma_wait3A_23 : memref<625x64xf32, #tpu.memory_space<hbm>>) dst(%dma_wait3A_21 : memref<625x64xf32, #tpu.memory_space<vmem_shared>>)
        tpu.yield
      }) : () -> ()
    } else {
    }
    %eq3A_3 = arith.constant 1 : i32
    %eq3A_4 = arith.cmpi eq, %arg0, %eq3A_3 : i32
    %convert_element_type3A_5 = arith.extui %eq3A_4 : i1 to i32
    %cond3A_6 = arith.constant 0 : i32
    %cond3A_7 = arith.cmpi ne, %convert_element_type3A_5, %cond3A_6 : i32
    scf.if %cond3A_7 {
      %mul3A_14 = arith.constant 625 : i32
      %mul3A_15 = arith.muli %arg1, %mul3A_14 : i32
      %mul3A_16 = arith.constant 625 : i32
      %mul3A_17 = arith.muli %arg1, %mul3A_16 : i32
      "tpu.region"() ({
        %run_scoped3A = tpu.sem_alloc : memref<!tpu.dma_semaphore, #tpu.memory_space<semaphore_mem>>
        %dma_start3A = arith.constant 0 : i32
        %dma_start3A_18 = tpu.memref_slice %arg17[%mul3A_17, %dma_start3A] : memref<10000x64xf32, #tpu.memory_space<vmem_shared>> -> memref<625x64xf32, #tpu.memory_space<vmem_shared>>
        %dma_start3A_19 = arith.constant 0 : i32
        %dma_start3A_20 = tpu.memref_slice %arg3[%mul3A_15, %dma_start3A_19] : memref<10000x64xf32, #tpu.memory_space<hbm>> -> memref<625x64xf32, #tpu.memory_space<hbm>>
        tpu.enqueue_dma source(%dma_start3A_20 : memref<625x64xf32, #tpu.memory_space<hbm>>) target(%dma_start3A_18 : memref<625x64xf32, #tpu.memory_space<vmem_shared>>) target_semaphore(%run_scoped3A : memref<!tpu.dma_semaphore, #tpu.memory_space<semaphore_mem>>)
        %dma_wait3A = arith.constant 0 : i32
        %dma_wait3A_21 = tpu.memref_slice %arg17[%mul3A_17, %dma_wait3A] : memref<10000x64xf32, #tpu.memory_space<vmem_shared>> -> memref<625x64xf32, #tpu.memory_space<vmem_shared>>
        %dma_wait3A_22 = arith.constant 0 : i32
        %dma_wait3A_23 = tpu.memref_slice %arg3[%mul3A_15, %dma_wait3A_22] : memref<10000x64xf32, #tpu.memory_space<hbm>> -> memref<625x64xf32, #tpu.memory_space<hbm>>
        tpu.wait_dma2 semaphore(%run_scoped3A : memref<!tpu.dma_semaphore, #tpu.memory_space<semaphore_mem>>) src(%dma_wait3A_23 : memref<625x64xf32, #tpu.memory_space<hbm>>) dst(%dma_wait3A_21 : memref<625x64xf32, #tpu.memory_space<vmem_shared>>)
        tpu.yield
      }) : () -> ()
    } else {
    }
    %barrier3A = arith.constant 0 : index
    tpu.barrier barrier_id(%barrier3A)
    %scan3A = arith.constant 0 : i32
    %scan3A_8 = arith.constant 0 : i32
    %scan3A_9 = arith.constant 20 : i32
    %scan3A_10 = arith.addi %scan3A_8, %scan3A_9 : i32
    %scan3A_11 = arith.constant 1 : i32
    scf.for %scan3A_14 = %scan3A_8 to %scan3A_10 step %scan3A_11  : i32 {
      %mul3A_15 = arith.constant 8 : i32
      %mul3A_16 = arith.muli %scan3A_14, %mul3A_15 : i32
      "tpu.region"() ({
        %run_scoped3A = tpu.sem_alloc : memref<!tpu.dma_semaphore, #tpu.memory_space<semaphore_mem>>
        %dma_start3A_81 = arith.constant 0 : i32
        %dma_start3A_82 = tpu.memref_slice %arg4[%arg1, %mul3A_16, %dma_start3A_81] : memref<16x160x128xi32, #tpu.memory_space<hbm>> -> memref<1x8x128xi32, #tpu.memory_space<hbm>>
        %dma_start3A_83 = tpu.memref_squeeze %dma_start3A_82 : memref<1x8x128xi32, #tpu.memory_space<hbm>> -> memref<8x128xi32, #tpu.memory_space<hbm>>
        %dma_start3A_84 = arith.constant 0 : i32
        %dma_start3A_85 = tpu.memref_slice %arg4[%arg1, %mul3A_16, %dma_start3A_84] : memref<16x160x128xi32, #tpu.memory_space<hbm>> -> memref<1x8x128xi32, #tpu.memory_space<hbm>>
        %dma_start3A_86 = tpu.memref_squeeze %dma_start3A_85 : memref<1x8x128xi32, #tpu.memory_space<hbm>> -> memref<8x128xi32, #tpu.memory_space<hbm>>
        tpu.enqueue_dma source(%dma_start3A_86 : memref<8x128xi32, #tpu.memory_space<hbm>>) target(%arg11 : memref<8x128xi32, #tpu.memory_space<vmem>>) target_semaphore(%run_scoped3A : memref<!tpu.dma_semaphore, #tpu.memory_space<semaphore_mem>>)
        %dma_wait3A = arith.constant 0 : i32
        %dma_wait3A_87 = tpu.memref_slice %arg4[%arg1, %mul3A_16, %dma_wait3A] : memref<16x160x128xi32, #tpu.memory_space<hbm>> -> memref<1x8x128xi32, #tpu.memory_space<hbm>>
        %dma_wait3A_88 = tpu.memref_squeeze %dma_wait3A_87 : memref<1x8x128xi32, #tpu.memory_space<hbm>> -> memref<8x128xi32, #tpu.memory_space<hbm>>
        %dma_wait3A_89 = arith.constant 0 : i32
        %dma_wait3A_90 = tpu.memref_slice %arg4[%arg1, %mul3A_16, %dma_wait3A_89] : memref<16x160x128xi32, #tpu.memory_space<hbm>> -> memref<1x8x128xi32, #tpu.memory_space<hbm>>
        %dma_wait3A_91 = tpu.memref_squeeze %dma_wait3A_90 : memref<1x8x128xi32, #tpu.memory_space<hbm>> -> memref<8x128xi32, #tpu.memory_space<hbm>>
        tpu.wait_dma2 semaphore(%run_scoped3A : memref<!tpu.dma_semaphore, #tpu.memory_space<semaphore_mem>>) src(%dma_wait3A_91 : memref<8x128xi32, #tpu.memory_space<hbm>>) dst(%arg11 : memref<8x128xi32, #tpu.memory_space<vmem>>)
        tpu.yield
      }) : () -> ()
      %mul3A_17 = arith.constant 8 : i32
      %mul3A_18 = arith.muli %scan3A_14, %mul3A_17 : i32
      "tpu.region"() ({
        %run_scoped3A = tpu.sem_alloc : memref<!tpu.dma_semaphore, #tpu.memory_space<semaphore_mem>>
        %dma_start3A_81 = arith.constant 0 : i32
        %dma_start3A_82 = tpu.memref_slice %arg5[%arg1, %mul3A_18, %dma_start3A_81] : memref<16x160x128xi32, #tpu.memory_space<hbm>> -> memref<1x8x128xi32, #tpu.memory_space<hbm>>
        %dma_start3A_83 = tpu.memref_squeeze %dma_start3A_82 : memref<1x8x128xi32, #tpu.memory_space<hbm>> -> memref<8x128xi32, #tpu.memory_space<hbm>>
        %dma_start3A_84 = arith.constant 0 : i32
        %dma_start3A_85 = tpu.memref_slice %arg5[%arg1, %mul3A_18, %dma_start3A_84] : memref<16x160x128xi32, #tpu.memory_space<hbm>> -> memref<1x8x128xi32, #tpu.memory_space<hbm>>
        %dma_start3A_86 = tpu.memref_squeeze %dma_start3A_85 : memref<1x8x128xi32, #tpu.memory_space<hbm>> -> memref<8x128xi32, #tpu.memory_space<hbm>>
        tpu.enqueue_dma source(%dma_start3A_86 : memref<8x128xi32, #tpu.memory_space<hbm>>) target(%arg12 : memref<8x128xi32, #tpu.memory_space<vmem>>) target_semaphore(%run_scoped3A : memref<!tpu.dma_semaphore, #tpu.memory_space<semaphore_mem>>)
        %dma_wait3A = arith.constant 0 : i32
        %dma_wait3A_87 = tpu.memref_slice %arg5[%arg1, %mul3A_18, %dma_wait3A] : memref<16x160x128xi32, #tpu.memory_space<hbm>> -> memref<1x8x128xi32, #tpu.memory_space<hbm>>
        %dma_wait3A_88 = tpu.memref_squeeze %dma_wait3A_87 : memref<1x8x128xi32, #tpu.memory_space<hbm>> -> memref<8x128xi32, #tpu.memory_space<hbm>>
        %dma_wait3A_89 = arith.constant 0 : i32
        %dma_wait3A_90 = tpu.memref_slice %arg5[%arg1, %mul3A_18, %dma_wait3A_89] : memref<16x160x128xi32, #tpu.memory_space<hbm>> -> memref<1x8x128xi32, #tpu.memory_space<hbm>>
        %dma_wait3A_91 = tpu.memref_squeeze %dma_wait3A_90 : memref<1x8x128xi32, #tpu.memory_space<hbm>> -> memref<8x128xi32, #tpu.memory_space<hbm>>
        tpu.wait_dma2 semaphore(%run_scoped3A : memref<!tpu.dma_semaphore, #tpu.memory_space<semaphore_mem>>) src(%dma_wait3A_91 : memref<8x128xi32, #tpu.memory_space<hbm>>) dst(%arg12 : memref<8x128xi32, #tpu.memory_space<vmem>>)
        tpu.yield
      }) : () -> ()
      %dma_start3A = arith.constant 0 : i32
      %dma_start3A_19 = arith.constant 0 : i32
      %dma_start3A_20 = arith.constant 0 : i32
      %dma_start3A_21 = arith.constant 0 : i32
      %dma_start3A_22 = tpu.memref_slice %arg13[%dma_start3A_19, %dma_start3A_20, %dma_start3A_21] : memref<4x128x64xf32, #tpu.memory_space<vmem>> -> memref<1x128x64xf32, #tpu.memory_space<vmem>>
      %dma_start3A_23 = tpu.memref_squeeze %dma_start3A_22 : memref<1x128x64xf32, #tpu.memory_space<vmem>> -> memref<128x64xf32, #tpu.memory_space<vmem>>
      %dma_start3A_24 = arith.constant 0 : i32
      %dma_start3A_25 = tpu.memref_slice %arg11[%dma_start3A, %dma_start3A_24] : memref<8x128xi32, #tpu.memory_space<vmem>> -> memref<1x128xi32, #tpu.memory_space<vmem>>
      %dma_start3A_26 = tpu.memref_squeeze %dma_start3A_25 : memref<1x128xi32, #tpu.memory_space<vmem>> -> memref<128xi32, #tpu.memory_space<vmem>>
      %dma_start3A_27 = arith.constant 0 : i32
      %dma_start3A_28 = arith.constant 0 : i32
      %dma_start3A_29 = tpu.memref_slice %arg17[%dma_start3A_27, %dma_start3A_28] : memref<10000x64xf32, #tpu.memory_space<vmem_shared>> -> memref<10000x64xf32, #tpu.memory_space<vmem_shared>>
      tpu.enqueue_indirect_dma source(%dma_start3A_29 : memref<10000x64xf32, #tpu.memory_space<vmem_shared>>) target(%dma_start3A_23 : memref<128x64xf32, #tpu.memory_space<vmem>>) offsets(%dma_start3A_26 : memref<128xi32, #tpu.memory_space<vmem>>) semaphore(%arg18 : memref<!tpu.dma_semaphore, #tpu.memory_space<semaphore_mem>>)
      %dma_start3A_30 = arith.constant 1 : i32
      %dma_start3A_31 = arith.constant 1 : i32
      %dma_start3A_32 = arith.constant 0 : i32
      %dma_start3A_33 = arith.constant 0 : i32
      %dma_start3A_34 = tpu.memref_slice %arg13[%dma_start3A_31, %dma_start3A_32, %dma_start3A_33] : memref<4x128x64xf32, #tpu.memory_space<vmem>> -> memref<1x128x64xf32, #tpu.memory_space<vmem>>
      %dma_start3A_35 = tpu.memref_squeeze %dma_start3A_34 : memref<1x128x64xf32, #tpu.memory_space<vmem>> -> memref<128x64xf32, #tpu.memory_space<vmem>>
      %dma_start3A_36 = arith.constant 0 : i32
      %dma_start3A_37 = tpu.memref_slice %arg11[%dma_start3A_30, %dma_start3A_36] : memref<8x128xi32, #tpu.memory_space<vmem>> -> memref<1x128xi32, #tpu.memory_space<vmem>>
      %dma_start3A_38 = tpu.memref_squeeze %dma_start3A_37 : memref<1x128xi32, #tpu.memory_space<vmem>> -> memref<128xi32, #tpu.memory_space<vmem>>
      %dma_start3A_39 = arith.constant 0 : i32
      %dma_start3A_40 = arith.constant 0 : i32
      %dma_start3A_41 = tpu.memref_slice %arg17[%dma_start3A_39, %dma_start3A_40] : memref<10000x64xf32, #tpu.memory_space<vmem_shared>> -> memref<10000x64xf32, #tpu.memory_space<vmem_shared>>
      tpu.enqueue_indirect_dma source(%dma_start3A_41 : memref<10000x64xf32, #tpu.memory_space<vmem_shared>>) target(%dma_start3A_35 : memref<128x64xf32, #tpu.memory_space<vmem>>) offsets(%dma_start3A_38 : memref<128xi32, #tpu.memory_space<vmem>>) semaphore(%arg19 : memref<!tpu.dma_semaphore, #tpu.memory_space<semaphore_mem>>)
      %dma_start3A_42 = arith.constant 2 : i32
      %dma_start3A_43 = arith.constant 2 : i32
      %dma_start3A_44 = arith.constant 0 : i32
      %dma_start3A_45 = arith.constant 0 : i32
      %dma_start3A_46 = tpu.memref_slice %arg13[%dma_start3A_43, %dma_start3A_44, %dma_start3A_45] : memref<4x128x64xf32, #tpu.memory_space<vmem>> -> memref<1x128x64xf32, #tpu.memory_space<vmem>>
      %dma_start3A_47 = tpu.memref_squeeze %dma_start3A_46 : memref<1x128x64xf32, #tpu.memory_space<vmem>> -> memref<128x64xf32, #tpu.memory_space<vmem>>
      %dma_start3A_48 = arith.constant 0 : i32
      %dma_start3A_49 = tpu.memref_slice %arg11[%dma_start3A_42, %dma_start3A_48] : memref<8x128xi32, #tpu.memory_space<vmem>> -> memref<1x128xi32, #tpu.memory_space<vmem>>
      %dma_start3A_50 = tpu.memref_squeeze %dma_start3A_49 : memref<1x128xi32, #tpu.memory_space<vmem>> -> memref<128xi32, #tpu.memory_space<vmem>>
      %dma_start3A_51 = arith.constant 0 : i32
      %dma_start3A_52 = arith.constant 0 : i32
      %dma_start3A_53 = tpu.memref_slice %arg17[%dma_start3A_51, %dma_start3A_52] : memref<10000x64xf32, #tpu.memory_space<vmem_shared>> -> memref<10000x64xf32, #tpu.memory_space<vmem_shared>>
      tpu.enqueue_indirect_dma source(%dma_start3A_53 : memref<10000x64xf32, #tpu.memory_space<vmem_shared>>) target(%dma_start3A_47 : memref<128x64xf32, #tpu.memory_space<vmem>>) offsets(%dma_start3A_50 : memref<128xi32, #tpu.memory_space<vmem>>) semaphore(%arg20 : memref<!tpu.dma_semaphore, #tpu.memory_space<semaphore_mem>>)
      %dma_start3A_54 = arith.constant 3 : i32
      %dma_start3A_55 = arith.constant 3 : i32
      %dma_start3A_56 = arith.constant 0 : i32
      %dma_start3A_57 = arith.constant 0 : i32
      %dma_start3A_58 = tpu.memref_slice %arg13[%dma_start3A_55, %dma_start3A_56, %dma_start3A_57] : memref<4x128x64xf32, #tpu.memory_space<vmem>> -> memref<1x128x64xf32, #tpu.memory_space<vmem>>
      %dma_start3A_59 = tpu.memref_squeeze %dma_start3A_58 : memref<1x128x64xf32, #tpu.memory_space<vmem>> -> memref<128x64xf32, #tpu.memory_space<vmem>>
      %dma_start3A_60 = arith.constant 0 : i32
      %dma_start3A_61 = tpu.memref_slice %arg11[%dma_start3A_54, %dma_start3A_60] : memref<8x128xi32, #tpu.memory_space<vmem>> -> memref<1x128xi32, #tpu.memory_space<vmem>>
      %dma_start3A_62 = tpu.memref_squeeze %dma_start3A_61 : memref<1x128xi32, #tpu.memory_space<vmem>> -> memref<128xi32, #tpu.memory_space<vmem>>
      %dma_start3A_63 = arith.constant 0 : i32
      %dma_start3A_64 = arith.constant 0 : i32
      %dma_start3A_65 = tpu.memref_slice %arg17[%dma_start3A_63, %dma_start3A_64] : memref<10000x64xf32, #tpu.memory_space<vmem_shared>> -> memref<10000x64xf32, #tpu.memory_space<vmem_shared>>
      tpu.enqueue_indirect_dma source(%dma_start3A_65 : memref<10000x64xf32, #tpu.memory_space<vmem_shared>>) target(%dma_start3A_59 : memref<128x64xf32, #tpu.memory_space<vmem>>) offsets(%dma_start3A_62 : memref<128xi32, #tpu.memory_space<vmem>>) semaphore(%arg21 : memref<!tpu.dma_semaphore, #tpu.memory_space<semaphore_mem>>)
      %eq3A_66 = arith.constant 0 : i32
      %eq3A_67 = arith.cmpi eq, %arg0, %eq3A_66 : i32
      %convert_element_type3A_68 = arith.extui %eq3A_67 : i1 to i32
      %cond3A_69 = arith.constant 0 : i32
      %cond3A_70 = arith.cmpi ne, %convert_element_type3A_68, %cond3A_69 : i32
      scf.if %cond3A_70 {
        %run_scoped3A = arith.constant 0 : i32
        "tpu.region"() ({
          %run_scoped3A_84 = tpu.sem_alloc : memref<!tpu.dma_semaphore, #tpu.memory_space<semaphore_mem>>
          %dma_start3A_85 = arith.constant 0 : i32
          %dma_start3A_86 = tpu.memref_slice %arg12[%run_scoped3A, %dma_start3A_85] : memref<8x128xi32, #tpu.memory_space<vmem>> -> memref<1x128xi32, #tpu.memory_space<vmem>>
          %dma_start3A_87 = tpu.memref_squeeze %dma_start3A_86 : memref<1x128xi32, #tpu.memory_space<vmem>> -> memref<128xi32, #tpu.memory_space<vmem>>
          %dma_start3A_88 = arith.constant 0 : i32
          %dma_start3A_89 = arith.constant 0 : i32
          %dma_start3A_90 = tpu.memref_slice %arg16[%dma_start3A_88, %dma_start3A_89] : memref<10016x16xf32, #tpu.memory_space<vmem_shared>> -> memref<10016x16xf32, #tpu.memory_space<vmem_shared>>
          tpu.enqueue_indirect_dma source(%arg14 : memref<128x16xf32, #tpu.memory_space<vmem>>) target(%dma_start3A_90 : memref<10016x16xf32, #tpu.memory_space<vmem_shared>>) offsets(%dma_start3A_87 : memref<128xi32, #tpu.memory_space<vmem>>) semaphore(%run_scoped3A_84 : memref<!tpu.dma_semaphore, #tpu.memory_space<semaphore_mem>>) {add = true}
          %dma_wait3A = arith.constant 0 : i32
          %dma_wait3A_91 = tpu.memref_slice %arg12[%run_scoped3A, %dma_wait3A] : memref<8x128xi32, #tpu.memory_space<vmem>> -> memref<1x128xi32, #tpu.memory_space<vmem>>
          %dma_wait3A_92 = tpu.memref_squeeze %dma_wait3A_91 : memref<1x128xi32, #tpu.memory_space<vmem>> -> memref<128xi32, #tpu.memory_space<vmem>>
          %dma_wait3A_93 = arith.constant 0 : i32
          %dma_wait3A_94 = arith.constant 0 : i32
          %dma_wait3A_95 = tpu.memref_slice %arg16[%dma_wait3A_93, %dma_wait3A_94] : memref<10016x16xf32, #tpu.memory_space<vmem_shared>> -> memref<10016x16xf32, #tpu.memory_space<vmem_shared>>
          tpu.wait_indirect_dma semaphore(%run_scoped3A_84 : memref<!tpu.dma_semaphore, #tpu.memory_space<semaphore_mem>>) src(%arg14 : memref<128x16xf32, #tpu.memory_space<vmem>>) dst(%dma_wait3A_95 : memref<10016x16xf32, #tpu.memory_space<vmem_shared>>)
          tpu.yield
        }) : () -> ()
        %run_scoped3A_81 = arith.constant 1 : i32
        "tpu.region"() ({
          %run_scoped3A_84 = tpu.sem_alloc : memref<!tpu.dma_semaphore, #tpu.memory_space<semaphore_mem>>
          %dma_start3A_85 = arith.constant 0 : i32
          %dma_start3A_86 = tpu.memref_slice %arg12[%run_scoped3A_81, %dma_start3A_85] : memref<8x128xi32, #tpu.memory_space<vmem>> -> memref<1x128xi32, #tpu.memory_space<vmem>>
          %dma_start3A_87 = tpu.memref_squeeze %dma_start3A_86 : memref<1x128xi32, #tpu.memory_space<vmem>> -> memref<128xi32, #tpu.memory_space<vmem>>
          %dma_start3A_88 = arith.constant 0 : i32
          %dma_start3A_89 = arith.constant 0 : i32
          %dma_start3A_90 = tpu.memref_slice %arg16[%dma_start3A_88, %dma_start3A_89] : memref<10016x16xf32, #tpu.memory_space<vmem_shared>> -> memref<10016x16xf32, #tpu.memory_space<vmem_shared>>
          tpu.enqueue_indirect_dma source(%arg14 : memref<128x16xf32, #tpu.memory_space<vmem>>) target(%dma_start3A_90 : memref<10016x16xf32, #tpu.memory_space<vmem_shared>>) offsets(%dma_start3A_87 : memref<128xi32, #tpu.memory_space<vmem>>) semaphore(%run_scoped3A_84 : memref<!tpu.dma_semaphore, #tpu.memory_space<semaphore_mem>>) {add = true}
          %dma_wait3A = arith.constant 0 : i32
          %dma_wait3A_91 = tpu.memref_slice %arg12[%run_scoped3A_81, %dma_wait3A] : memref<8x128xi32, #tpu.memory_space<vmem>> -> memref<1x128xi32, #tpu.memory_space<vmem>>
          %dma_wait3A_92 = tpu.memref_squeeze %dma_wait3A_91 : memref<1x128xi32, #tpu.memory_space<vmem>> -> memref<128xi32, #tpu.memory_space<vmem>>
          %dma_wait3A_93 = arith.constant 0 : i32
          %dma_wait3A_94 = arith.constant 0 : i32
          %dma_wait3A_95 = tpu.memref_slice %arg16[%dma_wait3A_93, %dma_wait3A_94] : memref<10016x16xf32, #tpu.memory_space<vmem_shared>> -> memref<10016x16xf32, #tpu.memory_space<vmem_shared>>
          tpu.wait_indirect_dma semaphore(%run_scoped3A_84 : memref<!tpu.dma_semaphore, #tpu.memory_space<semaphore_mem>>) src(%arg14 : memref<128x16xf32, #tpu.memory_space<vmem>>) dst(%dma_wait3A_95 : memref<10016x16xf32, #tpu.memory_space<vmem_shared>>)
          tpu.yield
        }) : () -> ()
        %run_scoped3A_82 = arith.constant 2 : i32
        "tpu.region"() ({
          %run_scoped3A_84 = tpu.sem_alloc : memref<!tpu.dma_semaphore, #tpu.memory_space<semaphore_mem>>
          %dma_start3A_85 = arith.constant 0 : i32
          %dma_start3A_86 = tpu.memref_slice %arg12[%run_scoped3A_82, %dma_start3A_85] : memref<8x128xi32, #tpu.memory_space<vmem>> -> memref<1x128xi32, #tpu.memory_space<vmem>>
          %dma_start3A_87 = tpu.memref_squeeze %dma_start3A_86 : memref<1x128xi32, #tpu.memory_space<vmem>> -> memref<128xi32, #tpu.memory_space<vmem>>
          %dma_start3A_88 = arith.constant 0 : i32
          %dma_start3A_89 = arith.constant 0 : i32
          %dma_start3A_90 = tpu.memref_slice %arg16[%dma_start3A_88, %dma_start3A_89] : memref<10016x16xf32, #tpu.memory_space<vmem_shared>> -> memref<10016x16xf32, #tpu.memory_space<vmem_shared>>
          tpu.enqueue_indirect_dma source(%arg14 : memref<128x16xf32, #tpu.memory_space<vmem>>) target(%dma_start3A_90 : memref<10016x16xf32, #tpu.memory_space<vmem_shared>>) offsets(%dma_start3A_87 : memref<128xi32, #tpu.memory_space<vmem>>) semaphore(%run_scoped3A_84 : memref<!tpu.dma_semaphore, #tpu.memory_space<semaphore_mem>>) {add = true}
          %dma_wait3A = arith.constant 0 : i32
          %dma_wait3A_91 = tpu.memref_slice %arg12[%run_scoped3A_82, %dma_wait3A] : memref<8x128xi32, #tpu.memory_space<vmem>> -> memref<1x128xi32, #tpu.memory_space<vmem>>
          %dma_wait3A_92 = tpu.memref_squeeze %dma_wait3A_91 : memref<1x128xi32, #tpu.memory_space<vmem>> -> memref<128xi32, #tpu.memory_space<vmem>>
          %dma_wait3A_93 = arith.constant 0 : i32
          %dma_wait3A_94 = arith.constant 0 : i32
          %dma_wait3A_95 = tpu.memref_slice %arg16[%dma_wait3A_93, %dma_wait3A_94] : memref<10016x16xf32, #tpu.memory_space<vmem_shared>> -> memref<10016x16xf32, #tpu.memory_space<vmem_shared>>
          tpu.wait_indirect_dma semaphore(%run_scoped3A_84 : memref<!tpu.dma_semaphore, #tpu.memory_space<semaphore_mem>>) src(%arg14 : memref<128x16xf32, #tpu.memory_space<vmem>>) dst(%dma_wait3A_95 : memref<10016x16xf32, #tpu.memory_space<vmem_shared>>)
          tpu.yield
        }) : () -> ()
        %run_scoped3A_83 = arith.constant 3 : i32
        "tpu.region"() ({
          %run_scoped3A_84 = tpu.sem_alloc : memref<!tpu.dma_semaphore, #tpu.memory_space<semaphore_mem>>
          %dma_start3A_85 = arith.constant 0 : i32
          %dma_start3A_86 = tpu.memref_slice %arg12[%run_scoped3A_83, %dma_start3A_85] : memref<8x128xi32, #tpu.memory_space<vmem>> -> memref<1x128xi32, #tpu.memory_space<vmem>>
          %dma_start3A_87 = tpu.memref_squeeze %dma_start3A_86 : memref<1x128xi32, #tpu.memory_space<vmem>> -> memref<128xi32, #tpu.memory_space<vmem>>
          %dma_start3A_88 = arith.constant 0 : i32
          %dma_start3A_89 = arith.constant 0 : i32
          %dma_start3A_90 = tpu.memref_slice %arg16[%dma_start3A_88, %dma_start3A_89] : memref<10016x16xf32, #tpu.memory_space<vmem_shared>> -> memref<10016x16xf32, #tpu.memory_space<vmem_shared>>
          tpu.enqueue_indirect_dma source(%arg14 : memref<128x16xf32, #tpu.memory_space<vmem>>) target(%dma_start3A_90 : memref<10016x16xf32, #tpu.memory_space<vmem_shared>>) offsets(%dma_start3A_87 : memref<128xi32, #tpu.memory_space<vmem>>) semaphore(%run_scoped3A_84 : memref<!tpu.dma_semaphore, #tpu.memory_space<semaphore_mem>>) {add = true}
          %dma_wait3A = arith.constant 0 : i32
          %dma_wait3A_91 = tpu.memref_slice %arg12[%run_scoped3A_83, %dma_wait3A] : memref<8x128xi32, #tpu.memory_space<vmem>> -> memref<1x128xi32, #tpu.memory_space<vmem>>
          %dma_wait3A_92 = tpu.memref_squeeze %dma_wait3A_91 : memref<1x128xi32, #tpu.memory_space<vmem>> -> memref<128xi32, #tpu.memory_space<vmem>>
          %dma_wait3A_93 = arith.constant 0 : i32
          %dma_wait3A_94 = arith.constant 0 : i32
          %dma_wait3A_95 = tpu.memref_slice %arg16[%dma_wait3A_93, %dma_wait3A_94] : memref<10016x16xf32, #tpu.memory_space<vmem_shared>> -> memref<10016x16xf32, #tpu.memory_space<vmem_shared>>
          tpu.wait_indirect_dma semaphore(%run_scoped3A_84 : memref<!tpu.dma_semaphore, #tpu.memory_space<semaphore_mem>>) src(%arg14 : memref<128x16xf32, #tpu.memory_space<vmem>>) dst(%dma_wait3A_95 : memref<10016x16xf32, #tpu.memory_space<vmem_shared>>)
          tpu.yield
        }) : () -> ()
      } else {
      }
      %eq3A_71 = arith.constant 1 : i32
      %eq3A_72 = arith.cmpi eq, %arg0, %eq3A_71 : i32
      %convert_element_type3A_73 = arith.extui %eq3A_72 : i1 to i32
      %cond3A_74 = arith.constant 0 : i32
      %cond3A_75 = arith.cmpi ne, %convert_element_type3A_73, %cond3A_74 : i32
      scf.if %cond3A_75 {
        %run_scoped3A = arith.constant 4 : i32
        "tpu.region"() ({
          %run_scoped3A_84 = tpu.sem_alloc : memref<!tpu.dma_semaphore, #tpu.memory_space<semaphore_mem>>
          %dma_start3A_85 = arith.constant 0 : i32
          %dma_start3A_86 = tpu.memref_slice %arg12[%run_scoped3A, %dma_start3A_85] : memref<8x128xi32, #tpu.memory_space<vmem>> -> memref<1x128xi32, #tpu.memory_space<vmem>>
          %dma_start3A_87 = tpu.memref_squeeze %dma_start3A_86 : memref<1x128xi32, #tpu.memory_space<vmem>> -> memref<128xi32, #tpu.memory_space<vmem>>
          %dma_start3A_88 = arith.constant 0 : i32
          %dma_start3A_89 = arith.constant 0 : i32
          %dma_start3A_90 = tpu.memref_slice %arg16[%dma_start3A_88, %dma_start3A_89] : memref<10016x16xf32, #tpu.memory_space<vmem_shared>> -> memref<10016x16xf32, #tpu.memory_space<vmem_shared>>
          tpu.enqueue_indirect_dma source(%arg14 : memref<128x16xf32, #tpu.memory_space<vmem>>) target(%dma_start3A_90 : memref<10016x16xf32, #tpu.memory_space<vmem_shared>>) offsets(%dma_start3A_87 : memref<128xi32, #tpu.memory_space<vmem>>) semaphore(%run_scoped3A_84 : memref<!tpu.dma_semaphore, #tpu.memory_space<semaphore_mem>>) {add = true}
          %dma_wait3A = arith.constant 0 : i32
          %dma_wait3A_91 = tpu.memref_slice %arg12[%run_scoped3A, %dma_wait3A] : memref<8x128xi32, #tpu.memory_space<vmem>> -> memref<1x128xi32, #tpu.memory_space<vmem>>
          %dma_wait3A_92 = tpu.memref_squeeze %dma_wait3A_91 : memref<1x128xi32, #tpu.memory_space<vmem>> -> memref<128xi32, #tpu.memory_space<vmem>>
          %dma_wait3A_93 = arith.constant 0 : i32
          %dma_wait3A_94 = arith.constant 0 : i32
          %dma_wait3A_95 = tpu.memref_slice %arg16[%dma_wait3A_93, %dma_wait3A_94] : memref<10016x16xf32, #tpu.memory_space<vmem_shared>> -> memref<10016x16xf32, #tpu.memory_space<vmem_shared>>
          tpu.wait_indirect_dma semaphore(%run_scoped3A_84 : memref<!tpu.dma_semaphore, #tpu.memory_space<semaphore_mem>>) src(%arg14 : memref<128x16xf32, #tpu.memory_space<vmem>>) dst(%dma_wait3A_95 : memref<10016x16xf32, #tpu.memory_space<vmem_shared>>)
          tpu.yield
        }) : () -> ()
        %run_scoped3A_81 = arith.constant 5 : i32
        "tpu.region"() ({
          %run_scoped3A_84 = tpu.sem_alloc : memref<!tpu.dma_semaphore, #tpu.memory_space<semaphore_mem>>
          %dma_start3A_85 = arith.constant 0 : i32
          %dma_start3A_86 = tpu.memref_slice %arg12[%run_scoped3A_81, %dma_start3A_85] : memref<8x128xi32, #tpu.memory_space<vmem>> -> memref<1x128xi32, #tpu.memory_space<vmem>>
          %dma_start3A_87 = tpu.memref_squeeze %dma_start3A_86 : memref<1x128xi32, #tpu.memory_space<vmem>> -> memref<128xi32, #tpu.memory_space<vmem>>
          %dma_start3A_88 = arith.constant 0 : i32
          %dma_start3A_89 = arith.constant 0 : i32
          %dma_start3A_90 = tpu.memref_slice %arg16[%dma_start3A_88, %dma_start3A_89] : memref<10016x16xf32, #tpu.memory_space<vmem_shared>> -> memref<10016x16xf32, #tpu.memory_space<vmem_shared>>
          tpu.enqueue_indirect_dma source(%arg14 : memref<128x16xf32, #tpu.memory_space<vmem>>) target(%dma_start3A_90 : memref<10016x16xf32, #tpu.memory_space<vmem_shared>>) offsets(%dma_start3A_87 : memref<128xi32, #tpu.memory_space<vmem>>) semaphore(%run_scoped3A_84 : memref<!tpu.dma_semaphore, #tpu.memory_space<semaphore_mem>>) {add = true}
          %dma_wait3A = arith.constant 0 : i32
          %dma_wait3A_91 = tpu.memref_slice %arg12[%run_scoped3A_81, %dma_wait3A] : memref<8x128xi32, #tpu.memory_space<vmem>> -> memref<1x128xi32, #tpu.memory_space<vmem>>
          %dma_wait3A_92 = tpu.memref_squeeze %dma_wait3A_91 : memref<1x128xi32, #tpu.memory_space<vmem>> -> memref<128xi32, #tpu.memory_space<vmem>>
          %dma_wait3A_93 = arith.constant 0 : i32
          %dma_wait3A_94 = arith.constant 0 : i32
          %dma_wait3A_95 = tpu.memref_slice %arg16[%dma_wait3A_93, %dma_wait3A_94] : memref<10016x16xf32, #tpu.memory_space<vmem_shared>> -> memref<10016x16xf32, #tpu.memory_space<vmem_shared>>
          tpu.wait_indirect_dma semaphore(%run_scoped3A_84 : memref<!tpu.dma_semaphore, #tpu.memory_space<semaphore_mem>>) src(%arg14 : memref<128x16xf32, #tpu.memory_space<vmem>>) dst(%dma_wait3A_95 : memref<10016x16xf32, #tpu.memory_space<vmem_shared>>)
          tpu.yield
        }) : () -> ()
        %run_scoped3A_82 = arith.constant 6 : i32
        "tpu.region"() ({
          %run_scoped3A_84 = tpu.sem_alloc : memref<!tpu.dma_semaphore, #tpu.memory_space<semaphore_mem>>
          %dma_start3A_85 = arith.constant 0 : i32
          %dma_start3A_86 = tpu.memref_slice %arg12[%run_scoped3A_82, %dma_start3A_85] : memref<8x128xi32, #tpu.memory_space<vmem>> -> memref<1x128xi32, #tpu.memory_space<vmem>>
          %dma_start3A_87 = tpu.memref_squeeze %dma_start3A_86 : memref<1x128xi32, #tpu.memory_space<vmem>> -> memref<128xi32, #tpu.memory_space<vmem>>
          %dma_start3A_88 = arith.constant 0 : i32
          %dma_start3A_89 = arith.constant 0 : i32
          %dma_start3A_90 = tpu.memref_slice %arg16[%dma_start3A_88, %dma_start3A_89] : memref<10016x16xf32, #tpu.memory_space<vmem_shared>> -> memref<10016x16xf32, #tpu.memory_space<vmem_shared>>
          tpu.enqueue_indirect_dma source(%arg14 : memref<128x16xf32, #tpu.memory_space<vmem>>) target(%dma_start3A_90 : memref<10016x16xf32, #tpu.memory_space<vmem_shared>>) offsets(%dma_start3A_87 : memref<128xi32, #tpu.memory_space<vmem>>) semaphore(%run_scoped3A_84 : memref<!tpu.dma_semaphore, #tpu.memory_space<semaphore_mem>>) {add = true}
          %dma_wait3A = arith.constant 0 : i32
          %dma_wait3A_91 = tpu.memref_slice %arg12[%run_scoped3A_82, %dma_wait3A] : memref<8x128xi32, #tpu.memory_space<vmem>> -> memref<1x128xi32, #tpu.memory_space<vmem>>
          %dma_wait3A_92 = tpu.memref_squeeze %dma_wait3A_91 : memref<1x128xi32, #tpu.memory_space<vmem>> -> memref<128xi32, #tpu.memory_space<vmem>>
          %dma_wait3A_93 = arith.constant 0 : i32
          %dma_wait3A_94 = arith.constant 0 : i32
          %dma_wait3A_95 = tpu.memref_slice %arg16[%dma_wait3A_93, %dma_wait3A_94] : memref<10016x16xf32, #tpu.memory_space<vmem_shared>> -> memref<10016x16xf32, #tpu.memory_space<vmem_shared>>
          tpu.wait_indirect_dma semaphore(%run_scoped3A_84 : memref<!tpu.dma_semaphore, #tpu.memory_space<semaphore_mem>>) src(%arg14 : memref<128x16xf32, #tpu.memory_space<vmem>>) dst(%dma_wait3A_95 : memref<10016x16xf32, #tpu.memory_space<vmem_shared>>)
          tpu.yield
        }) : () -> ()
        %run_scoped3A_83 = arith.constant 7 : i32
        "tpu.region"() ({
          %run_scoped3A_84 = tpu.sem_alloc : memref<!tpu.dma_semaphore, #tpu.memory_space<semaphore_mem>>
          %dma_start3A_85 = arith.constant 0 : i32
          %dma_start3A_86 = tpu.memref_slice %arg12[%run_scoped3A_83, %dma_start3A_85] : memref<8x128xi32, #tpu.memory_space<vmem>> -> memref<1x128xi32, #tpu.memory_space<vmem>>
          %dma_start3A_87 = tpu.memref_squeeze %dma_start3A_86 : memref<1x128xi32, #tpu.memory_space<vmem>> -> memref<128xi32, #tpu.memory_space<vmem>>
          %dma_start3A_88 = arith.constant 0 : i32
          %dma_start3A_89 = arith.constant 0 : i32
          %dma_start3A_90 = tpu.memref_slice %arg16[%dma_start3A_88, %dma_start3A_89] : memref<10016x16xf32, #tpu.memory_space<vmem_shared>> -> memref<10016x16xf32, #tpu.memory_space<vmem_shared>>
          tpu.enqueue_indirect_dma source(%arg14 : memref<128x16xf32, #tpu.memory_space<vmem>>) target(%dma_start3A_90 : memref<10016x16xf32, #tpu.memory_space<vmem_shared>>) offsets(%dma_start3A_87 : memref<128xi32, #tpu.memory_space<vmem>>) semaphore(%run_scoped3A_84 : memref<!tpu.dma_semaphore, #tpu.memory_space<semaphore_mem>>) {add = true}
          %dma_wait3A = arith.constant 0 : i32
          %dma_wait3A_91 = tpu.memref_slice %arg12[%run_scoped3A_83, %dma_wait3A] : memref<8x128xi32, #tpu.memory_space<vmem>> -> memref<1x128xi32, #tpu.memory_space<vmem>>
          %dma_wait3A_92 = tpu.memref_squeeze %dma_wait3A_91 : memref<1x128xi32, #tpu.memory_space<vmem>> -> memref<128xi32, #tpu.memory_space<vmem>>
          %dma_wait3A_93 = arith.constant 0 : i32
          %dma_wait3A_94 = arith.constant 0 : i32
          %dma_wait3A_95 = tpu.memref_slice %arg16[%dma_wait3A_93, %dma_wait3A_94] : memref<10016x16xf32, #tpu.memory_space<vmem_shared>> -> memref<10016x16xf32, #tpu.memory_space<vmem_shared>>
          tpu.wait_indirect_dma semaphore(%run_scoped3A_84 : memref<!tpu.dma_semaphore, #tpu.memory_space<semaphore_mem>>) src(%arg14 : memref<128x16xf32, #tpu.memory_space<vmem>>) dst(%dma_wait3A_95 : memref<10016x16xf32, #tpu.memory_space<vmem_shared>>)
          tpu.yield
        }) : () -> ()
      } else {
      }
      %scan3A_76 = arith.constant 0 : i32
      %scan3A_77 = arith.constant 2 : i32
      %scan3A_78 = arith.addi %scan3A_76, %scan3A_77 : i32
      %scan3A_79 = arith.constant 1 : i32
      scf.for %scan3A_81 = %scan3A_76 to %scan3A_78 step %scan3A_79  : i32 {
        %mul3A_82 = arith.constant 4 : i32
        %mul3A_83 = arith.muli %scan3A_81, %mul3A_82 : i32
        %add3A = arith.constant 0 : i32
        %add3A_84 = arith.addi %mul3A_83, %add3A : i32
        %dma_wait3A = arith.constant 0 : i32
        %dma_wait3A_85 = arith.constant 0 : i32
        %dma_wait3A_86 = arith.constant 0 : i32
        %dma_wait3A_87 = tpu.memref_slice %arg13[%dma_wait3A, %dma_wait3A_85, %dma_wait3A_86] : memref<4x128x64xf32, #tpu.memory_space<vmem>> -> memref<1x128x64xf32, #tpu.memory_space<vmem>>
        %dma_wait3A_88 = tpu.memref_squeeze %dma_wait3A_87 : memref<1x128x64xf32, #tpu.memory_space<vmem>> -> memref<128x64xf32, #tpu.memory_space<vmem>>
        %dma_wait3A_89 = arith.constant 0 : i32
        %dma_wait3A_90 = tpu.memref_slice %arg11[%add3A_84, %dma_wait3A_89] : memref<8x128xi32, #tpu.memory_space<vmem>> -> memref<1x128xi32, #tpu.memory_space<vmem>>
        %dma_wait3A_91 = tpu.memref_squeeze %dma_wait3A_90 : memref<1x128xi32, #tpu.memory_space<vmem>> -> memref<128xi32, #tpu.memory_space<vmem>>
        %dma_wait3A_92 = arith.constant 0 : i32
        %dma_wait3A_93 = arith.constant 0 : i32
        %dma_wait3A_94 = tpu.memref_slice %arg17[%dma_wait3A_92, %dma_wait3A_93] : memref<10000x64xf32, #tpu.memory_space<vmem_shared>> -> memref<10000x64xf32, #tpu.memory_space<vmem_shared>>
        tpu.wait_indirect_dma semaphore(%arg18 : memref<!tpu.dma_semaphore, #tpu.memory_space<semaphore_mem>>) src(%dma_wait3A_94 : memref<10000x64xf32, #tpu.memory_space<vmem_shared>>) dst(%dma_wait3A_88 : memref<128x64xf32, #tpu.memory_space<vmem>>)
        %run_scoped3A = arith.constant 0 : i32
        "tpu.region"() ({
          %run_scoped3A_170 = tpu.sem_alloc : memref<!tpu.dma_semaphore, #tpu.memory_space<semaphore_mem>>
          %dma_start3A_171 = arith.constant 0 : i32
          %dma_start3A_172 = arith.constant 0 : i32
          %dma_start3A_173 = tpu.memref_slice %arg13[%run_scoped3A, %dma_start3A_171, %dma_start3A_172] : memref<4x128x64xf32, #tpu.memory_space<vmem>> -> memref<1x128x64xf32, #tpu.memory_space<vmem>>
          %dma_start3A_174 = tpu.memref_squeeze %dma_start3A_173 : memref<1x128x64xf32, #tpu.memory_space<vmem>> -> memref<128x64xf32, #tpu.memory_space<vmem>>
          %dma_start3A_175 = arith.constant 0 : i32
          %dma_start3A_176 = tpu.memref_slice %arg12[%add3A_84, %dma_start3A_175] : memref<8x128xi32, #tpu.memory_space<vmem>> -> memref<1x128xi32, #tpu.memory_space<vmem>>
          %dma_start3A_177 = tpu.memref_squeeze %dma_start3A_176 : memref<1x128xi32, #tpu.memory_space<vmem>> -> memref<128xi32, #tpu.memory_space<vmem>>
          %dma_start3A_178 = arith.constant 0 : i32
          %dma_start3A_179 = arith.constant 0 : i32
          %dma_start3A_180 = tpu.memref_slice %arg15[%dma_start3A_178, %dma_start3A_179] : memref<10016x64xf32, #tpu.memory_space<vmem_shared>> -> memref<10016x64xf32, #tpu.memory_space<vmem_shared>>
          tpu.enqueue_indirect_dma source(%dma_start3A_174 : memref<128x64xf32, #tpu.memory_space<vmem>>) target(%dma_start3A_180 : memref<10016x64xf32, #tpu.memory_space<vmem_shared>>) offsets(%dma_start3A_177 : memref<128xi32, #tpu.memory_space<vmem>>) semaphore(%run_scoped3A_170 : memref<!tpu.dma_semaphore, #tpu.memory_space<semaphore_mem>>) {add = true}
          %dma_wait3A_181 = arith.constant 0 : i32
          %dma_wait3A_182 = arith.constant 0 : i32
          %dma_wait3A_183 = tpu.memref_slice %arg13[%run_scoped3A, %dma_wait3A_181, %dma_wait3A_182] : memref<4x128x64xf32, #tpu.memory_space<vmem>> -> memref<1x128x64xf32, #tpu.memory_space<vmem>>
          %dma_wait3A_184 = tpu.memref_squeeze %dma_wait3A_183 : memref<1x128x64xf32, #tpu.memory_space<vmem>> -> memref<128x64xf32, #tpu.memory_space<vmem>>
          %dma_wait3A_185 = arith.constant 0 : i32
          %dma_wait3A_186 = tpu.memref_slice %arg12[%add3A_84, %dma_wait3A_185] : memref<8x128xi32, #tpu.memory_space<vmem>> -> memref<1x128xi32, #tpu.memory_space<vmem>>
          %dma_wait3A_187 = tpu.memref_squeeze %dma_wait3A_186 : memref<1x128xi32, #tpu.memory_space<vmem>> -> memref<128xi32, #tpu.memory_space<vmem>>
          %dma_wait3A_188 = arith.constant 0 : i32
          %dma_wait3A_189 = arith.constant 0 : i32
          %dma_wait3A_190 = tpu.memref_slice %arg15[%dma_wait3A_188, %dma_wait3A_189] : memref<10016x64xf32, #tpu.memory_space<vmem_shared>> -> memref<10016x64xf32, #tpu.memory_space<vmem_shared>>
          tpu.wait_indirect_dma semaphore(%run_scoped3A_170 : memref<!tpu.dma_semaphore, #tpu.memory_space<semaphore_mem>>) src(%dma_wait3A_184 : memref<128x64xf32, #tpu.memory_space<vmem>>) dst(%dma_wait3A_190 : memref<10016x64xf32, #tpu.memory_space<vmem_shared>>)
          tpu.yield
        }) : () -> ()
        %add3A_95 = arith.constant 4 : i32
        %add3A_96 = arith.addi %add3A_84, %add3A_95 : i32
        %lt3A = arith.constant 8 : i32
        %lt3A_97 = arith.cmpi slt, %add3A_96, %lt3A : i32
        %convert_element_type3A_98 = arith.extui %lt3A_97 : i1 to i32
        %cond3A_99 = arith.constant 0 : i32
        %cond3A_100 = arith.cmpi ne, %convert_element_type3A_98, %cond3A_99 : i32
        scf.if %cond3A_100 {
          %add3A_170 = arith.constant 4 : i32
          %add3A_171 = arith.addi %add3A_84, %add3A_170 : i32
          %dma_start3A_172 = arith.constant 0 : i32
          %dma_start3A_173 = arith.constant 0 : i32
          %dma_start3A_174 = arith.constant 0 : i32
          %dma_start3A_175 = tpu.memref_slice %arg13[%dma_start3A_172, %dma_start3A_173, %dma_start3A_174] : memref<4x128x64xf32, #tpu.memory_space<vmem>> -> memref<1x128x64xf32, #tpu.memory_space<vmem>>
          %dma_start3A_176 = tpu.memref_squeeze %dma_start3A_175 : memref<1x128x64xf32, #tpu.memory_space<vmem>> -> memref<128x64xf32, #tpu.memory_space<vmem>>
          %dma_start3A_177 = arith.constant 0 : i32
          %dma_start3A_178 = tpu.memref_slice %arg11[%add3A_171, %dma_start3A_177] : memref<8x128xi32, #tpu.memory_space<vmem>> -> memref<1x128xi32, #tpu.memory_space<vmem>>
          %dma_start3A_179 = tpu.memref_squeeze %dma_start3A_178 : memref<1x128xi32, #tpu.memory_space<vmem>> -> memref<128xi32, #tpu.memory_space<vmem>>
          %dma_start3A_180 = arith.constant 0 : i32
          %dma_start3A_181 = arith.constant 0 : i32
          %dma_start3A_182 = tpu.memref_slice %arg17[%dma_start3A_180, %dma_start3A_181] : memref<10000x64xf32, #tpu.memory_space<vmem_shared>> -> memref<10000x64xf32, #tpu.memory_space<vmem_shared>>
          tpu.enqueue_indirect_dma source(%dma_start3A_182 : memref<10000x64xf32, #tpu.memory_space<vmem_shared>>) target(%dma_start3A_176 : memref<128x64xf32, #tpu.memory_space<vmem>>) offsets(%dma_start3A_179 : memref<128xi32, #tpu.memory_space<vmem>>) semaphore(%arg18 : memref<!tpu.dma_semaphore, #tpu.memory_space<semaphore_mem>>)
        } else {
        }
        %mul3A_101 = arith.constant 4 : i32
        %mul3A_102 = arith.muli %scan3A_81, %mul3A_101 : i32
        %add3A_103 = arith.constant 1 : i32
        %add3A_104 = arith.addi %mul3A_102, %add3A_103 : i32
        %dma_wait3A_105 = arith.constant 1 : i32
        %dma_wait3A_106 = arith.constant 0 : i32
        %dma_wait3A_107 = arith.constant 0 : i32
        %dma_wait3A_108 = tpu.memref_slice %arg13[%dma_wait3A_105, %dma_wait3A_106, %dma_wait3A_107] : memref<4x128x64xf32, #tpu.memory_space<vmem>> -> memref<1x128x64xf32, #tpu.memory_space<vmem>>
        %dma_wait3A_109 = tpu.memref_squeeze %dma_wait3A_108 : memref<1x128x64xf32, #tpu.memory_space<vmem>> -> memref<128x64xf32, #tpu.memory_space<vmem>>
        %dma_wait3A_110 = arith.constant 0 : i32
        %dma_wait3A_111 = tpu.memref_slice %arg11[%add3A_104, %dma_wait3A_110] : memref<8x128xi32, #tpu.memory_space<vmem>> -> memref<1x128xi32, #tpu.memory_space<vmem>>
        %dma_wait3A_112 = tpu.memref_squeeze %dma_wait3A_111 : memref<1x128xi32, #tpu.memory_space<vmem>> -> memref<128xi32, #tpu.memory_space<vmem>>
        %dma_wait3A_113 = arith.constant 0 : i32
        %dma_wait3A_114 = arith.constant 0 : i32
        %dma_wait3A_115 = tpu.memref_slice %arg17[%dma_wait3A_113, %dma_wait3A_114] : memref<10000x64xf32, #tpu.memory_space<vmem_shared>> -> memref<10000x64xf32, #tpu.memory_space<vmem_shared>>
        tpu.wait_indirect_dma semaphore(%arg19 : memref<!tpu.dma_semaphore, #tpu.memory_space<semaphore_mem>>) src(%dma_wait3A_115 : memref<10000x64xf32, #tpu.memory_space<vmem_shared>>) dst(%dma_wait3A_109 : memref<128x64xf32, #tpu.memory_space<vmem>>)
        %run_scoped3A_116 = arith.constant 1 : i32
        "tpu.region"() ({
          %run_scoped3A_170 = tpu.sem_alloc : memref<!tpu.dma_semaphore, #tpu.memory_space<semaphore_mem>>
          %dma_start3A_171 = arith.constant 0 : i32
          %dma_start3A_172 = arith.constant 0 : i32
          %dma_start3A_173 = tpu.memref_slice %arg13[%run_scoped3A_116, %dma_start3A_171, %dma_start3A_172] : memref<4x128x64xf32, #tpu.memory_space<vmem>> -> memref<1x128x64xf32, #tpu.memory_space<vmem>>
          %dma_start3A_174 = tpu.memref_squeeze %dma_start3A_173 : memref<1x128x64xf32, #tpu.memory_space<vmem>> -> memref<128x64xf32, #tpu.memory_space<vmem>>
          %dma_start3A_175 = arith.constant 0 : i32
          %dma_start3A_176 = tpu.memref_slice %arg12[%add3A_104, %dma_start3A_175] : memref<8x128xi32, #tpu.memory_space<vmem>> -> memref<1x128xi32, #tpu.memory_space<vmem>>
          %dma_start3A_177 = tpu.memref_squeeze %dma_start3A_176 : memref<1x128xi32, #tpu.memory_space<vmem>> -> memref<128xi32, #tpu.memory_space<vmem>>
          %dma_start3A_178 = arith.constant 0 : i32
          %dma_start3A_179 = arith.constant 0 : i32
          %dma_start3A_180 = tpu.memref_slice %arg15[%dma_start3A_178, %dma_start3A_179] : memref<10016x64xf32, #tpu.memory_space<vmem_shared>> -> memref<10016x64xf32, #tpu.memory_space<vmem_shared>>
          tpu.enqueue_indirect_dma source(%dma_start3A_174 : memref<128x64xf32, #tpu.memory_space<vmem>>) target(%dma_start3A_180 : memref<10016x64xf32, #tpu.memory_space<vmem_shared>>) offsets(%dma_start3A_177 : memref<128xi32, #tpu.memory_space<vmem>>) semaphore(%run_scoped3A_170 : memref<!tpu.dma_semaphore, #tpu.memory_space<semaphore_mem>>) {add = true}
          %dma_wait3A_181 = arith.constant 0 : i32
          %dma_wait3A_182 = arith.constant 0 : i32
          %dma_wait3A_183 = tpu.memref_slice %arg13[%run_scoped3A_116, %dma_wait3A_181, %dma_wait3A_182] : memref<4x128x64xf32, #tpu.memory_space<vmem>> -> memref<1x128x64xf32, #tpu.memory_space<vmem>>
          %dma_wait3A_184 = tpu.memref_squeeze %dma_wait3A_183 : memref<1x128x64xf32, #tpu.memory_space<vmem>> -> memref<128x64xf32, #tpu.memory_space<vmem>>
          %dma_wait3A_185 = arith.constant 0 : i32
          %dma_wait3A_186 = tpu.memref_slice %arg12[%add3A_104, %dma_wait3A_185] : memref<8x128xi32, #tpu.memory_space<vmem>> -> memref<1x128xi32, #tpu.memory_space<vmem>>
          %dma_wait3A_187 = tpu.memref_squeeze %dma_wait3A_186 : memref<1x128xi32, #tpu.memory_space<vmem>> -> memref<128xi32, #tpu.memory_space<vmem>>
          %dma_wait3A_188 = arith.constant 0 : i32
          %dma_wait3A_189 = arith.constant 0 : i32
          %dma_wait3A_190 = tpu.memref_slice %arg15[%dma_wait3A_188, %dma_wait3A_189] : memref<10016x64xf32, #tpu.memory_space<vmem_shared>> -> memref<10016x64xf32, #tpu.memory_space<vmem_shared>>
          tpu.wait_indirect_dma semaphore(%run_scoped3A_170 : memref<!tpu.dma_semaphore, #tpu.memory_space<semaphore_mem>>) src(%dma_wait3A_184 : memref<128x64xf32, #tpu.memory_space<vmem>>) dst(%dma_wait3A_190 : memref<10016x64xf32, #tpu.memory_space<vmem_shared>>)
          tpu.yield
        }) : () -> ()
        %add3A_117 = arith.constant 4 : i32
        %add3A_118 = arith.addi %add3A_104, %add3A_117 : i32
        %lt3A_119 = arith.constant 8 : i32
        %lt3A_120 = arith.cmpi slt, %add3A_118, %lt3A_119 : i32
        %convert_element_type3A_121 = arith.extui %lt3A_120 : i1 to i32
        %cond3A_122 = arith.constant 0 : i32
        %cond3A_123 = arith.cmpi ne, %convert_element_type3A_121, %cond3A_122 : i32
        scf.if %cond3A_123 {
          %add3A_170 = arith.constant 4 : i32
          %add3A_171 = arith.addi %add3A_104, %add3A_170 : i32
          %dma_start3A_172 = arith.constant 1 : i32
          %dma_start3A_173 = arith.constant 0 : i32
          %dma_start3A_174 = arith.constant 0 : i32
          %dma_start3A_175 = tpu.memref_slice %arg13[%dma_start3A_172, %dma_start3A_173, %dma_start3A_174] : memref<4x128x64xf32, #tpu.memory_space<vmem>> -> memref<1x128x64xf32, #tpu.memory_space<vmem>>
          %dma_start3A_176 = tpu.memref_squeeze %dma_start3A_175 : memref<1x128x64xf32, #tpu.memory_space<vmem>> -> memref<128x64xf32, #tpu.memory_space<vmem>>
          %dma_start3A_177 = arith.constant 0 : i32
          %dma_start3A_178 = tpu.memref_slice %arg11[%add3A_171, %dma_start3A_177] : memref<8x128xi32, #tpu.memory_space<vmem>> -> memref<1x128xi32, #tpu.memory_space<vmem>>
          %dma_start3A_179 = tpu.memref_squeeze %dma_start3A_178 : memref<1x128xi32, #tpu.memory_space<vmem>> -> memref<128xi32, #tpu.memory_space<vmem>>
          %dma_start3A_180 = arith.constant 0 : i32
          %dma_start3A_181 = arith.constant 0 : i32
          %dma_start3A_182 = tpu.memref_slice %arg17[%dma_start3A_180, %dma_start3A_181] : memref<10000x64xf32, #tpu.memory_space<vmem_shared>> -> memref<10000x64xf32, #tpu.memory_space<vmem_shared>>
          tpu.enqueue_indirect_dma source(%dma_start3A_182 : memref<10000x64xf32, #tpu.memory_space<vmem_shared>>) target(%dma_start3A_176 : memref<128x64xf32, #tpu.memory_space<vmem>>) offsets(%dma_start3A_179 : memref<128xi32, #tpu.memory_space<vmem>>) semaphore(%arg19 : memref<!tpu.dma_semaphore, #tpu.memory_space<semaphore_mem>>)
        } else {
        }
        %mul3A_124 = arith.constant 4 : i32
        %mul3A_125 = arith.muli %scan3A_81, %mul3A_124 : i32
        %add3A_126 = arith.constant 2 : i32
        %add3A_127 = arith.addi %mul3A_125, %add3A_126 : i32
        %dma_wait3A_128 = arith.constant 2 : i32
        %dma_wait3A_129 = arith.constant 0 : i32
        %dma_wait3A_130 = arith.constant 0 : i32
        %dma_wait3A_131 = tpu.memref_slice %arg13[%dma_wait3A_128, %dma_wait3A_129, %dma_wait3A_130] : memref<4x128x64xf32, #tpu.memory_space<vmem>> -> memref<1x128x64xf32, #tpu.memory_space<vmem>>
        %dma_wait3A_132 = tpu.memref_squeeze %dma_wait3A_131 : memref<1x128x64xf32, #tpu.memory_space<vmem>> -> memref<128x64xf32, #tpu.memory_space<vmem>>
        %dma_wait3A_133 = arith.constant 0 : i32
        %dma_wait3A_134 = tpu.memref_slice %arg11[%add3A_127, %dma_wait3A_133] : memref<8x128xi32, #tpu.memory_space<vmem>> -> memref<1x128xi32, #tpu.memory_space<vmem>>
        %dma_wait3A_135 = tpu.memref_squeeze %dma_wait3A_134 : memref<1x128xi32, #tpu.memory_space<vmem>> -> memref<128xi32, #tpu.memory_space<vmem>>
        %dma_wait3A_136 = arith.constant 0 : i32
        %dma_wait3A_137 = arith.constant 0 : i32
        %dma_wait3A_138 = tpu.memref_slice %arg17[%dma_wait3A_136, %dma_wait3A_137] : memref<10000x64xf32, #tpu.memory_space<vmem_shared>> -> memref<10000x64xf32, #tpu.memory_space<vmem_shared>>
        tpu.wait_indirect_dma semaphore(%arg20 : memref<!tpu.dma_semaphore, #tpu.memory_space<semaphore_mem>>) src(%dma_wait3A_138 : memref<10000x64xf32, #tpu.memory_space<vmem_shared>>) dst(%dma_wait3A_132 : memref<128x64xf32, #tpu.memory_space<vmem>>)
        %run_scoped3A_139 = arith.constant 2 : i32
        "tpu.region"() ({
          %run_scoped3A_170 = tpu.sem_alloc : memref<!tpu.dma_semaphore, #tpu.memory_space<semaphore_mem>>
          %dma_start3A_171 = arith.constant 0 : i32
          %dma_start3A_172 = arith.constant 0 : i32
          %dma_start3A_173 = tpu.memref_slice %arg13[%run_scoped3A_139, %dma_start3A_171, %dma_start3A_172] : memref<4x128x64xf32, #tpu.memory_space<vmem>> -> memref<1x128x64xf32, #tpu.memory_space<vmem>>
          %dma_start3A_174 = tpu.memref_squeeze %dma_start3A_173 : memref<1x128x64xf32, #tpu.memory_space<vmem>> -> memref<128x64xf32, #tpu.memory_space<vmem>>
          %dma_start3A_175 = arith.constant 0 : i32
          %dma_start3A_176 = tpu.memref_slice %arg12[%add3A_127, %dma_start3A_175] : memref<8x128xi32, #tpu.memory_space<vmem>> -> memref<1x128xi32, #tpu.memory_space<vmem>>
          %dma_start3A_177 = tpu.memref_squeeze %dma_start3A_176 : memref<1x128xi32, #tpu.memory_space<vmem>> -> memref<128xi32, #tpu.memory_space<vmem>>
          %dma_start3A_178 = arith.constant 0 : i32
          %dma_start3A_179 = arith.constant 0 : i32
          %dma_start3A_180 = tpu.memref_slice %arg15[%dma_start3A_178, %dma_start3A_179] : memref<10016x64xf32, #tpu.memory_space<vmem_shared>> -> memref<10016x64xf32, #tpu.memory_space<vmem_shared>>
          tpu.enqueue_indirect_dma source(%dma_start3A_174 : memref<128x64xf32, #tpu.memory_space<vmem>>) target(%dma_start3A_180 : memref<10016x64xf32, #tpu.memory_space<vmem_shared>>) offsets(%dma_start3A_177 : memref<128xi32, #tpu.memory_space<vmem>>) semaphore(%run_scoped3A_170 : memref<!tpu.dma_semaphore, #tpu.memory_space<semaphore_mem>>) {add = true}
          %dma_wait3A_181 = arith.constant 0 : i32
          %dma_wait3A_182 = arith.constant 0 : i32
          %dma_wait3A_183 = tpu.memref_slice %arg13[%run_scoped3A_139, %dma_wait3A_181, %dma_wait3A_182] : memref<4x128x64xf32, #tpu.memory_space<vmem>> -> memref<1x128x64xf32, #tpu.memory_space<vmem>>
          %dma_wait3A_184 = tpu.memref_squeeze %dma_wait3A_183 : memref<1x128x64xf32, #tpu.memory_space<vmem>> -> memref<128x64xf32, #tpu.memory_space<vmem>>
          %dma_wait3A_185 = arith.constant 0 : i32
          %dma_wait3A_186 = tpu.memref_slice %arg12[%add3A_127, %dma_wait3A_185] : memref<8x128xi32, #tpu.memory_space<vmem>> -> memref<1x128xi32, #tpu.memory_space<vmem>>
          %dma_wait3A_187 = tpu.memref_squeeze %dma_wait3A_186 : memref<1x128xi32, #tpu.memory_space<vmem>> -> memref<128xi32, #tpu.memory_space<vmem>>
          %dma_wait3A_188 = arith.constant 0 : i32
          %dma_wait3A_189 = arith.constant 0 : i32
          %dma_wait3A_190 = tpu.memref_slice %arg15[%dma_wait3A_188, %dma_wait3A_189] : memref<10016x64xf32, #tpu.memory_space<vmem_shared>> -> memref<10016x64xf32, #tpu.memory_space<vmem_shared>>
          tpu.wait_indirect_dma semaphore(%run_scoped3A_170 : memref<!tpu.dma_semaphore, #tpu.memory_space<semaphore_mem>>) src(%dma_wait3A_184 : memref<128x64xf32, #tpu.memory_space<vmem>>) dst(%dma_wait3A_190 : memref<10016x64xf32, #tpu.memory_space<vmem_shared>>)
          tpu.yield
        }) : () -> ()
        %add3A_140 = arith.constant 4 : i32
        %add3A_141 = arith.addi %add3A_127, %add3A_140 : i32
        %lt3A_142 = arith.constant 8 : i32
        %lt3A_143 = arith.cmpi slt, %add3A_141, %lt3A_142 : i32
        %convert_element_type3A_144 = arith.extui %lt3A_143 : i1 to i32
        %cond3A_145 = arith.constant 0 : i32
        %cond3A_146 = arith.cmpi ne, %convert_element_type3A_144, %cond3A_145 : i32
        scf.if %cond3A_146 {
          %add3A_170 = arith.constant 4 : i32
          %add3A_171 = arith.addi %add3A_127, %add3A_170 : i32
          %dma_start3A_172 = arith.constant 2 : i32
          %dma_start3A_173 = arith.constant 0 : i32
          %dma_start3A_174 = arith.constant 0 : i32
          %dma_start3A_175 = tpu.memref_slice %arg13[%dma_start3A_172, %dma_start3A_173, %dma_start3A_174] : memref<4x128x64xf32, #tpu.memory_space<vmem>> -> memref<1x128x64xf32, #tpu.memory_space<vmem>>
          %dma_start3A_176 = tpu.memref_squeeze %dma_start3A_175 : memref<1x128x64xf32, #tpu.memory_space<vmem>> -> memref<128x64xf32, #tpu.memory_space<vmem>>
          %dma_start3A_177 = arith.constant 0 : i32
          %dma_start3A_178 = tpu.memref_slice %arg11[%add3A_171, %dma_start3A_177] : memref<8x128xi32, #tpu.memory_space<vmem>> -> memref<1x128xi32, #tpu.memory_space<vmem>>
          %dma_start3A_179 = tpu.memref_squeeze %dma_start3A_178 : memref<1x128xi32, #tpu.memory_space<vmem>> -> memref<128xi32, #tpu.memory_space<vmem>>
          %dma_start3A_180 = arith.constant 0 : i32
          %dma_start3A_181 = arith.constant 0 : i32
          %dma_start3A_182 = tpu.memref_slice %arg17[%dma_start3A_180, %dma_start3A_181] : memref<10000x64xf32, #tpu.memory_space<vmem_shared>> -> memref<10000x64xf32, #tpu.memory_space<vmem_shared>>
          tpu.enqueue_indirect_dma source(%dma_start3A_182 : memref<10000x64xf32, #tpu.memory_space<vmem_shared>>) target(%dma_start3A_176 : memref<128x64xf32, #tpu.memory_space<vmem>>) offsets(%dma_start3A_179 : memref<128xi32, #tpu.memory_space<vmem>>) semaphore(%arg20 : memref<!tpu.dma_semaphore, #tpu.memory_space<semaphore_mem>>)
        } else {
        }
        %mul3A_147 = arith.constant 4 : i32
        %mul3A_148 = arith.muli %scan3A_81, %mul3A_147 : i32
        %add3A_149 = arith.constant 3 : i32
        %add3A_150 = arith.addi %mul3A_148, %add3A_149 : i32
        %dma_wait3A_151 = arith.constant 3 : i32
        %dma_wait3A_152 = arith.constant 0 : i32
        %dma_wait3A_153 = arith.constant 0 : i32
        %dma_wait3A_154 = tpu.memref_slice %arg13[%dma_wait3A_151, %dma_wait3A_152, %dma_wait3A_153] : memref<4x128x64xf32, #tpu.memory_space<vmem>> -> memref<1x128x64xf32, #tpu.memory_space<vmem>>
        %dma_wait3A_155 = tpu.memref_squeeze %dma_wait3A_154 : memref<1x128x64xf32, #tpu.memory_space<vmem>> -> memref<128x64xf32, #tpu.memory_space<vmem>>
        %dma_wait3A_156 = arith.constant 0 : i32
        %dma_wait3A_157 = tpu.memref_slice %arg11[%add3A_150, %dma_wait3A_156] : memref<8x128xi32, #tpu.memory_space<vmem>> -> memref<1x128xi32, #tpu.memory_space<vmem>>
        %dma_wait3A_158 = tpu.memref_squeeze %dma_wait3A_157 : memref<1x128xi32, #tpu.memory_space<vmem>> -> memref<128xi32, #tpu.memory_space<vmem>>
        %dma_wait3A_159 = arith.constant 0 : i32
        %dma_wait3A_160 = arith.constant 0 : i32
        %dma_wait3A_161 = tpu.memref_slice %arg17[%dma_wait3A_159, %dma_wait3A_160] : memref<10000x64xf32, #tpu.memory_space<vmem_shared>> -> memref<10000x64xf32, #tpu.memory_space<vmem_shared>>
        tpu.wait_indirect_dma semaphore(%arg21 : memref<!tpu.dma_semaphore, #tpu.memory_space<semaphore_mem>>) src(%dma_wait3A_161 : memref<10000x64xf32, #tpu.memory_space<vmem_shared>>) dst(%dma_wait3A_155 : memref<128x64xf32, #tpu.memory_space<vmem>>)
        %run_scoped3A_162 = arith.constant 3 : i32
        "tpu.region"() ({
          %run_scoped3A_170 = tpu.sem_alloc : memref<!tpu.dma_semaphore, #tpu.memory_space<semaphore_mem>>
          %dma_start3A_171 = arith.constant 0 : i32
          %dma_start3A_172 = arith.constant 0 : i32
          %dma_start3A_173 = tpu.memref_slice %arg13[%run_scoped3A_162, %dma_start3A_171, %dma_start3A_172] : memref<4x128x64xf32, #tpu.memory_space<vmem>> -> memref<1x128x64xf32, #tpu.memory_space<vmem>>
          %dma_start3A_174 = tpu.memref_squeeze %dma_start3A_173 : memref<1x128x64xf32, #tpu.memory_space<vmem>> -> memref<128x64xf32, #tpu.memory_space<vmem>>
          %dma_start3A_175 = arith.constant 0 : i32
          %dma_start3A_176 = tpu.memref_slice %arg12[%add3A_150, %dma_start3A_175] : memref<8x128xi32, #tpu.memory_space<vmem>> -> memref<1x128xi32, #tpu.memory_space<vmem>>
          %dma_start3A_177 = tpu.memref_squeeze %dma_start3A_176 : memref<1x128xi32, #tpu.memory_space<vmem>> -> memref<128xi32, #tpu.memory_space<vmem>>
          %dma_start3A_178 = arith.constant 0 : i32
          %dma_start3A_179 = arith.constant 0 : i32
          %dma_start3A_180 = tpu.memref_slice %arg15[%dma_start3A_178, %dma_start3A_179] : memref<10016x64xf32, #tpu.memory_space<vmem_shared>> -> memref<10016x64xf32, #tpu.memory_space<vmem_shared>>
          tpu.enqueue_indirect_dma source(%dma_start3A_174 : memref<128x64xf32, #tpu.memory_space<vmem>>) target(%dma_start3A_180 : memref<10016x64xf32, #tpu.memory_space<vmem_shared>>) offsets(%dma_start3A_177 : memref<128xi32, #tpu.memory_space<vmem>>) semaphore(%run_scoped3A_170 : memref<!tpu.dma_semaphore, #tpu.memory_space<semaphore_mem>>) {add = true}
          %dma_wait3A_181 = arith.constant 0 : i32
          %dma_wait3A_182 = arith.constant 0 : i32
          %dma_wait3A_183 = tpu.memref_slice %arg13[%run_scoped3A_162, %dma_wait3A_181, %dma_wait3A_182] : memref<4x128x64xf32, #tpu.memory_space<vmem>> -> memref<1x128x64xf32, #tpu.memory_space<vmem>>
          %dma_wait3A_184 = tpu.memref_squeeze %dma_wait3A_183 : memref<1x128x64xf32, #tpu.memory_space<vmem>> -> memref<128x64xf32, #tpu.memory_space<vmem>>
          %dma_wait3A_185 = arith.constant 0 : i32
          %dma_wait3A_186 = tpu.memref_slice %arg12[%add3A_150, %dma_wait3A_185] : memref<8x128xi32, #tpu.memory_space<vmem>> -> memref<1x128xi32, #tpu.memory_space<vmem>>
          %dma_wait3A_187 = tpu.memref_squeeze %dma_wait3A_186 : memref<1x128xi32, #tpu.memory_space<vmem>> -> memref<128xi32, #tpu.memory_space<vmem>>
          %dma_wait3A_188 = arith.constant 0 : i32
          %dma_wait3A_189 = arith.constant 0 : i32
          %dma_wait3A_190 = tpu.memref_slice %arg15[%dma_wait3A_188, %dma_wait3A_189] : memref<10016x64xf32, #tpu.memory_space<vmem_shared>> -> memref<10016x64xf32, #tpu.memory_space<vmem_shared>>
          tpu.wait_indirect_dma semaphore(%run_scoped3A_170 : memref<!tpu.dma_semaphore, #tpu.memory_space<semaphore_mem>>) src(%dma_wait3A_184 : memref<128x64xf32, #tpu.memory_space<vmem>>) dst(%dma_wait3A_190 : memref<10016x64xf32, #tpu.memory_space<vmem_shared>>)
          tpu.yield
        }) : () -> ()
        %add3A_163 = arith.constant 4 : i32
        %add3A_164 = arith.addi %add3A_150, %add3A_163 : i32
        %lt3A_165 = arith.constant 8 : i32
        %lt3A_166 = arith.cmpi slt, %add3A_164, %lt3A_165 : i32
        %convert_element_type3A_167 = arith.extui %lt3A_166 : i1 to i32
        %cond3A_168 = arith.constant 0 : i32
        %cond3A_169 = arith.cmpi ne, %convert_element_type3A_167, %cond3A_168 : i32
        scf.if %cond3A_169 {
          %add3A_170 = arith.constant 4 : i32
          %add3A_171 = arith.addi %add3A_150, %add3A_170 : i32
          %dma_start3A_172 = arith.constant 3 : i32
          %dma_start3A_173 = arith.constant 0 : i32
          %dma_start3A_174 = arith.constant 0 : i32
          %dma_start3A_175 = tpu.memref_slice %arg13[%dma_start3A_172, %dma_start3A_173, %dma_start3A_174] : memref<4x128x64xf32, #tpu.memory_space<vmem>> -> memref<1x128x64xf32, #tpu.memory_space<vmem>>
          %dma_start3A_176 = tpu.memref_squeeze %dma_start3A_175 : memref<1x128x64xf32, #tpu.memory_space<vmem>> -> memref<128x64xf32, #tpu.memory_space<vmem>>
          %dma_start3A_177 = arith.constant 0 : i32
          %dma_start3A_178 = tpu.memref_slice %arg11[%add3A_171, %dma_start3A_177] : memref<8x128xi32, #tpu.memory_space<vmem>> -> memref<1x128xi32, #tpu.memory_space<vmem>>
          %dma_start3A_179 = tpu.memref_squeeze %dma_start3A_178 : memref<1x128xi32, #tpu.memory_space<vmem>> -> memref<128xi32, #tpu.memory_space<vmem>>
          %dma_start3A_180 = arith.constant 0 : i32
          %dma_start3A_181 = arith.constant 0 : i32
          %dma_start3A_182 = tpu.memref_slice %arg17[%dma_start3A_180, %dma_start3A_181] : memref<10000x64xf32, #tpu.memory_space<vmem_shared>> -> memref<10000x64xf32, #tpu.memory_space<vmem_shared>>
          tpu.enqueue_indirect_dma source(%dma_start3A_182 : memref<10000x64xf32, #tpu.memory_space<vmem_shared>>) target(%dma_start3A_176 : memref<128x64xf32, #tpu.memory_space<vmem>>) offsets(%dma_start3A_179 : memref<128xi32, #tpu.memory_space<vmem>>) semaphore(%arg21 : memref<!tpu.dma_semaphore, #tpu.memory_space<semaphore_mem>>)
        } else {
        }
      }
      %scan3A_80 = arith.constant 2 : i32
    }
    %scan3A_12 = arith.constant 20 : i32
    %barrier3A_13 = arith.constant 0 : index
    tpu.barrier barrier_id(%barrier3A_13)
    "tpu.region"() ({
      %run_scoped3A = tpu.sem_alloc : memref<!tpu.dma_semaphore, #tpu.memory_space<semaphore_mem>>
      %dma_start3A = arith.constant 0 : i32
      %dma_start3A_14 = tpu.memref_slice %arg9[%arg0, %mul3A_0, %dma_start3A] : memref<2x10016x64xf32, #tpu.memory_space<hbm>> -> memref<1x626x64xf32, #tpu.memory_space<hbm>>
      %dma_start3A_15 = tpu.memref_squeeze %dma_start3A_14 : memref<1x626x64xf32, #tpu.memory_space<hbm>> -> memref<626x64xf32, #tpu.memory_space<hbm>>
      %dma_start3A_16 = arith.constant 0 : i32
      %dma_start3A_17 = tpu.memref_slice %arg15[%mul3A_0, %dma_start3A_16] : memref<10016x64xf32, #tpu.memory_space<vmem_shared>> -> memref<626x64xf32, #tpu.memory_space<vmem_shared>>
      tpu.enqueue_dma source(%dma_start3A_17 : memref<626x64xf32, #tpu.memory_space<vmem_shared>>) target(%dma_start3A_15 : memref<626x64xf32, #tpu.memory_space<hbm>>) target_semaphore(%run_scoped3A : memref<!tpu.dma_semaphore, #tpu.memory_space<semaphore_mem>>)
      %dma_wait3A = arith.constant 0 : i32
      %dma_wait3A_18 = tpu.memref_slice %arg9[%arg0, %mul3A_0, %dma_wait3A] : memref<2x10016x64xf32, #tpu.memory_space<hbm>> -> memref<1x626x64xf32, #tpu.memory_space<hbm>>
      %dma_wait3A_19 = tpu.memref_squeeze %dma_wait3A_18 : memref<1x626x64xf32, #tpu.memory_space<hbm>> -> memref<626x64xf32, #tpu.memory_space<hbm>>
      %dma_wait3A_20 = arith.constant 0 : i32
      %dma_wait3A_21 = tpu.memref_slice %arg15[%mul3A_0, %dma_wait3A_20] : memref<10016x64xf32, #tpu.memory_space<vmem_shared>> -> memref<626x64xf32, #tpu.memory_space<vmem_shared>>
      tpu.wait_dma2 semaphore(%run_scoped3A : memref<!tpu.dma_semaphore, #tpu.memory_space<semaphore_mem>>) src(%dma_wait3A_21 : memref<626x64xf32, #tpu.memory_space<vmem_shared>>) dst(%dma_wait3A_19 : memref<626x64xf32, #tpu.memory_space<hbm>>)
      tpu.yield
    }) : () -> ()
    "tpu.region"() ({
      %run_scoped3A = tpu.sem_alloc : memref<!tpu.dma_semaphore, #tpu.memory_space<semaphore_mem>>
      %dma_start3A = arith.constant 0 : i32
      %dma_start3A_14 = tpu.memref_slice %arg10[%arg0, %mul3A_0, %dma_start3A] : memref<2x10016x16xf32, #tpu.memory_space<hbm>> -> memref<1x626x16xf32, #tpu.memory_space<hbm>>
      %dma_start3A_15 = tpu.memref_squeeze %dma_start3A_14 : memref<1x626x16xf32, #tpu.memory_space<hbm>> -> memref<626x16xf32, #tpu.memory_space<hbm>>
      %dma_start3A_16 = arith.constant 0 : i32
      %dma_start3A_17 = tpu.memref_slice %arg16[%mul3A_0, %dma_start3A_16] : memref<10016x16xf32, #tpu.memory_space<vmem_shared>> -> memref<626x16xf32, #tpu.memory_space<vmem_shared>>
      tpu.enqueue_dma source(%dma_start3A_17 : memref<626x16xf32, #tpu.memory_space<vmem_shared>>) target(%dma_start3A_15 : memref<626x16xf32, #tpu.memory_space<hbm>>) target_semaphore(%run_scoped3A : memref<!tpu.dma_semaphore, #tpu.memory_space<semaphore_mem>>)
      %dma_wait3A = arith.constant 0 : i32
      %dma_wait3A_18 = tpu.memref_slice %arg10[%arg0, %mul3A_0, %dma_wait3A] : memref<2x10016x16xf32, #tpu.memory_space<hbm>> -> memref<1x626x16xf32, #tpu.memory_space<hbm>>
      %dma_wait3A_19 = tpu.memref_squeeze %dma_wait3A_18 : memref<1x626x16xf32, #tpu.memory_space<hbm>> -> memref<626x16xf32, #tpu.memory_space<hbm>>
      %dma_wait3A_20 = arith.constant 0 : i32
      %dma_wait3A_21 = tpu.memref_slice %arg16[%mul3A_0, %dma_wait3A_20] : memref<10016x16xf32, #tpu.memory_space<vmem_shared>> -> memref<626x16xf32, #tpu.memory_space<vmem_shared>>
      tpu.wait_dma2 semaphore(%run_scoped3A : memref<!tpu.dma_semaphore, #tpu.memory_space<semaphore_mem>>) src(%dma_wait3A_21 : memref<626x16xf32, #tpu.memory_space<vmem_shared>>) dst(%dma_wait3A_19 : memref<626x16xf32, #tpu.memory_space<hbm>>)
      tpu.yield
    }) : () -> ()
    return
  }
}

module attributes {stable_mosaic.version = 14 : i64} {
  func.func @_mm0_body(%arg0: i32, %arg1: memref<1000x128xf32, #tpu.memory_space<vmem>>, %arg2: memref<128x64xf32, #tpu.memory_space<vmem>>, %arg3: memref<128x64xf32, #tpu.memory_space<vmem>>, %arg4: memref<128x128xf32, #tpu.memory_space<vmem>>, %arg5: memref<1x128xf32, #tpu.memory_space<vmem>>, %arg6: memref<1000x64xf32, #tpu.memory_space<vmem>>, %arg7: memref<1000x64xf32, #tpu.memory_space<vmem>>, %arg8: memref<1000x128xf32, #tpu.memory_space<vmem>>) attributes {dimension_semantics = [#tpu.dimension_semantics<arbitrary>], iteration_bounds = array<i64: 10>, scalar_prefetch = 0 : i64, scratch_operands = 0 : i64, tpu.core_type = #tpu.core_type<tc>, window_params = [{transform_indices = @transform_0, window_bounds = array<i64: 1000, 128>}, {pipeline_mode = #tpu.pipeline_mode<synchronous>, transform_indices = @transform_1, window_bounds = array<i64: 128, 64>}, {pipeline_mode = #tpu.pipeline_mode<synchronous>, transform_indices = @transform_2, window_bounds = array<i64: 128, 64>}, {pipeline_mode = #tpu.pipeline_mode<synchronous>, transform_indices = @transform_3, window_bounds = array<i64: 128, 128>}, {pipeline_mode = #tpu.pipeline_mode<synchronous>, transform_indices = @transform_4, window_bounds = array<i64: 1, 128>}, {transform_indices = @transform_5, window_bounds = array<i64: 1000, 64>}, {transform_indices = @transform_6, window_bounds = array<i64: 1000, 64>}, {transform_indices = @transform_7, window_bounds = array<i64: 1000, 128>}]} {
    %get3A = arith.constant 0 : index
    %get3A_0 = arith.constant 0 : index
    %get3A_1 = vector.load %arg1[%get3A, %get3A_0] : memref<1000x128xf32, #tpu.memory_space<vmem>>, vector<1000x128xf32>
    %get3A_2 = arith.constant 0 : index
    %get3A_3 = arith.constant 0 : index
    %get3A_4 = vector.load %arg2[%get3A_2, %get3A_3] : memref<128x64xf32, #tpu.memory_space<vmem>>, vector<128x64xf32>
    %dot_general3A = arith.constant dense<0.000000e+00> : vector<1000x64xf32>
    %dot_general3A_5 = tpu.matmul %get3A_1, %get3A_4, %dot_general3A {dimension_numbers = #tpu.dot_dimension_numbers<[1], [0], [0], [1], [0, 0, 1, 1], [], []>, transpose_lhs_hint = false} : vector<1000x128xf32>, vector<128x64xf32>, vector<1000x64xf32> -> vector<1000x64xf32>
    %swap3A = arith.constant 0 : index
    %swap3A_6 = arith.constant 0 : index
    %swap3A_7 = vector.load %arg6[%swap3A, %swap3A_6] : memref<1000x64xf32, #tpu.memory_space<vmem>>, vector<1000x64xf32>
    tpu.vector_store %arg6[%swap3A, %swap3A_6], %dot_general3A_5 {strides = array<i32>} : memref<1000x64xf32, #tpu.memory_space<vmem>>, vector<1000x64xf32>,
    %get3A_8 = arith.constant 0 : index
    %get3A_9 = arith.constant 0 : index
    %get3A_10 = vector.load %arg3[%get3A_8, %get3A_9] : memref<128x64xf32, #tpu.memory_space<vmem>>, vector<128x64xf32>
    %dot_general3A_11 = arith.constant dense<0.000000e+00> : vector<1000x64xf32>
    %dot_general3A_12 = tpu.matmul %get3A_1, %get3A_10, %dot_general3A_11 {dimension_numbers = #tpu.dot_dimension_numbers<[1], [0], [0], [1], [0, 0, 1, 1], [], []>, transpose_lhs_hint = false} : vector<1000x128xf32>, vector<128x64xf32>, vector<1000x64xf32> -> vector<1000x64xf32>
    %swap3A_13 = arith.constant 0 : index
    %swap3A_14 = arith.constant 0 : index
    %swap3A_15 = vector.load %arg7[%swap3A_13, %swap3A_14] : memref<1000x64xf32, #tpu.memory_space<vmem>>, vector<1000x64xf32>
    tpu.vector_store %arg7[%swap3A_13, %swap3A_14], %dot_general3A_12 {strides = array<i32>} : memref<1000x64xf32, #tpu.memory_space<vmem>>, vector<1000x64xf32>,
    %get3A_16 = arith.constant 0 : index
    %get3A_17 = arith.constant 0 : index
    %get3A_18 = vector.load %arg4[%get3A_16, %get3A_17] : memref<128x128xf32, #tpu.memory_space<vmem>>, vector<128x128xf32>
    %dot_general3A_19 = arith.constant dense<0.000000e+00> : vector<1000x128xf32>
    %dot_general3A_20 = tpu.matmul %get3A_1, %get3A_18, %dot_general3A_19 {dimension_numbers = #tpu.dot_dimension_numbers<[1], [0], [0], [1], [0, 0, 1, 1], [], []>, transpose_lhs_hint = false} : vector<1000x128xf32>, vector<128x128xf32>, vector<1000x128xf32> -> vector<1000x128xf32>
    %get3A_21 = arith.constant 0 : index
    %get3A_22 = arith.constant 0 : index
    %get3A_23 = vector.load %arg5[%get3A_21, %get3A_22] : memref<1x128xf32, #tpu.memory_space<vmem>>, vector<1x128xf32>
    %add3A = vector.broadcast %get3A_23 : vector<1x128xf32> to vector<1000x128xf32>
    %add3A_24 = arith.addf %dot_general3A_20, %add3A : vector<1000x128xf32>
    %swap3A_25 = arith.constant 0 : index
    %swap3A_26 = arith.constant 0 : index
    %swap3A_27 = vector.load %arg8[%swap3A_25, %swap3A_26] : memref<1000x128xf32, #tpu.memory_space<vmem>>, vector<1000x128xf32>
    tpu.vector_store %arg8[%swap3A_25, %swap3A_26], %add3A_24 {strides = array<i32>} : memref<1000x128xf32, #tpu.memory_space<vmem>>, vector<1000x128xf32>,
    return
  }
  func.func @transform_0(%arg0: i32) -> (i32, i32) {
    %c0_i32 = arith.constant 0 : i32
    %c0_i32_0 = arith.constant 0 : i32
    return %arg0, %c0_i32 : i32, i32
  }
  func.func @transform_1(%arg0: i32) -> (i32, i32) {
    %c0_i32 = arith.constant 0 : i32
    %c0_i32_0 = arith.constant 0 : i32
    %c0_i32_1 = arith.constant 0 : i32
    return %c0_i32, %c0_i32_0 : i32, i32
  }
  func.func @transform_2(%arg0: i32) -> (i32, i32) {
    %c0_i32 = arith.constant 0 : i32
    %c0_i32_0 = arith.constant 0 : i32
    %c0_i32_1 = arith.constant 0 : i32
    return %c0_i32, %c0_i32_0 : i32, i32
  }
  func.func @transform_3(%arg0: i32) -> (i32, i32) {
    %c0_i32 = arith.constant 0 : i32
    %c0_i32_0 = arith.constant 0 : i32
    %c0_i32_1 = arith.constant 0 : i32
    return %c0_i32, %c0_i32_0 : i32, i32
  }
  func.func @transform_4(%arg0: i32) -> (i32, i32) {
    %c0_i32 = arith.constant 0 : i32
    %c0_i32_0 = arith.constant 0 : i32
    %c0_i32_1 = arith.constant 0 : i32
    return %c0_i32, %c0_i32_0 : i32, i32
  }
  func.func @transform_5(%arg0: i32) -> (i32, i32) {
    %c0_i32 = arith.constant 0 : i32
    %c0_i32_0 = arith.constant 0 : i32
    return %arg0, %c0_i32 : i32, i32
  }
  func.func @transform_6(%arg0: i32) -> (i32, i32) {
    %c0_i32 = arith.constant 0 : i32
    %c0_i32_0 = arith.constant 0 : i32
    return %arg0, %c0_i32 : i32, i32
  }
  func.func @transform_7(%arg0: i32) -> (i32, i32) {
    %c0_i32 = arith.constant 0 : i32
    %c0_i32_0 = arith.constant 0 : i32
    return %arg0, %c0_i32 : i32, i32
  }
}

module attributes {stable_mosaic.version = 14 : i64} {
  func.func @_mid_body(%arg0: i32, %arg1: memref<2x1000x64xf32, #tpu.memory_space<vmem>>, %arg2: memref<2x1000x16xf32, #tpu.memory_space<vmem>>, %arg3: memref<1000x128xf32, #tpu.memory_space<vmem>>, %arg4: memref<128x48xf32, #tpu.memory_space<vmem>>, %arg5: memref<128x47xf32, #tpu.memory_space<vmem>>, %arg6: memref<1x47xf32, #tpu.memory_space<vmem>>, %arg7: memref<1000x48xf32, #tpu.memory_space<vmem>>, %arg8: memref<1000x47xf32, #tpu.memory_space<vmem>>, %arg9: memref<1000x1xf32, #tpu.memory_space<vmem>>) attributes {dimension_semantics = [#tpu.dimension_semantics<arbitrary>], iteration_bounds = array<i64: 10>, scalar_prefetch = 0 : i64, scratch_operands = 0 : i64, tpu.core_type = #tpu.core_type<tc>, window_params = [{transform_indices = @transform_0, window_bounds = array<i64: 2, 1000, 64>}, {transform_indices = @transform_1, window_bounds = array<i64: 2, 1000, 16>}, {transform_indices = @transform_2, window_bounds = array<i64: 1000, 128>}, {pipeline_mode = #tpu.pipeline_mode<synchronous>, transform_indices = @transform_3, window_bounds = array<i64: 128, 48>}, {pipeline_mode = #tpu.pipeline_mode<synchronous>, transform_indices = @transform_4, window_bounds = array<i64: 128, 47>}, {pipeline_mode = #tpu.pipeline_mode<synchronous>, transform_indices = @transform_5, window_bounds = array<i64: 1, 47>}, {transform_indices = @transform_6, window_bounds = array<i64: 1000, 48>}, {transform_indices = @transform_7, window_bounds = array<i64: 1000, 47>}, {transform_indices = @transform_8, window_bounds = array<i64: 1000, 1>}]} {
    %get3A = arith.constant 0 : index
    %get3A_0 = arith.constant 0 : index
    %get3A_1 = arith.constant 0 : index
    %get3A_2 = vector.load %arg1[%get3A, %get3A_0, %get3A_1] : memref<2x1000x64xf32, #tpu.memory_space<vmem>>, vector<1x1000x64xf32>
    %get3A_3 = vector.shape_cast %get3A_2 : vector<1x1000x64xf32> to vector<1000x64xf32>
    %get3A_4 = arith.constant 1 : index
    %get3A_5 = arith.constant 0 : index
    %get3A_6 = arith.constant 0 : index
    %get3A_7 = vector.load %arg1[%get3A_4, %get3A_5, %get3A_6] : memref<2x1000x64xf32, #tpu.memory_space<vmem>>, vector<1x1000x64xf32>
    %get3A_8 = vector.shape_cast %get3A_7 : vector<1x1000x64xf32> to vector<1000x64xf32>
    %concatenate3A = tpu.concatenate %get3A_3, %get3A_8 in 1 : vector<1000x64xf32>, vector<1000x64xf32> -> vector<1000x128xf32>
    %get3A_9 = arith.constant 0 : index
    %get3A_10 = arith.constant 0 : index
    %get3A_11 = arith.constant 0 : index
    %get3A_12 = vector.load %arg2[%get3A_9, %get3A_10, %get3A_11] : memref<2x1000x16xf32, #tpu.memory_space<vmem>>, vector<1x1000x16xf32>
    %get3A_13 = vector.shape_cast %get3A_12 : vector<1x1000x16xf32> to vector<1000x16xf32>
    %slice3A = vector.extract_strided_slice %get3A_13 {offsets = [0, 0], sizes = [1000, 1], strides = [1, 1]} : vector<1000x16xf32> to vector<1000x1xf32>
    %get3A_14 = arith.constant 1 : index
    %get3A_15 = arith.constant 0 : index
    %get3A_16 = arith.constant 0 : index
    %get3A_17 = vector.load %arg2[%get3A_14, %get3A_15, %get3A_16] : memref<2x1000x16xf32, #tpu.memory_space<vmem>>, vector<1x1000x16xf32>
    %get3A_18 = vector.shape_cast %get3A_17 : vector<1x1000x16xf32> to vector<1000x16xf32>
    %slice3A_19 = vector.extract_strided_slice %get3A_18 {offsets = [0, 0], sizes = [1000, 1], strides = [1, 1]} : vector<1000x16xf32> to vector<1000x1xf32>
    %add3A = arith.addf %slice3A, %slice3A_19 : vector<1000x1xf32>
    %max3A = arith.constant 1.000000e+00 : f32
    %max3A_20 = vector.broadcast %max3A : f32 to vector<1000x1xf32>
    %max3A_21 = arith.maximumf %add3A, %max3A_20 : vector<1000x1xf32>
    %div3A = arith.constant 1.000000e+00 : f32
    %div3A_22 = vector.broadcast %div3A : f32 to vector<1000x1xf32>
    %div3A_23 = arith.divf %div3A_22, %max3A_21 : vector<1000x1xf32>
    %mul3A = vector.broadcast %div3A_23 : vector<1000x1xf32> to vector<1000x128xf32>
    %mul3A_24 = arith.mulf %concatenate3A, %mul3A : vector<1000x128xf32>
    %get3A_25 = arith.constant 0 : index
    %get3A_26 = arith.constant 0 : index
    %get3A_27 = vector.load %arg3[%get3A_25, %get3A_26] : memref<1000x128xf32, #tpu.memory_space<vmem>>, vector<1000x128xf32>
    %add3A_28 = arith.addf %mul3A_24, %get3A_27 : vector<1000x128xf32>
    %max3A_29 = arith.constant 0.000000e+00 : f32
    %max3A_30 = vector.broadcast %max3A_29 : f32 to vector<1000x128xf32>
    %max3A_31 = arith.maximumf %add3A_28, %max3A_30 : vector<1000x128xf32>
    %get3A_32 = arith.constant 0 : index
    %get3A_33 = arith.constant 0 : index
    %get3A_34 = vector.load %arg4[%get3A_32, %get3A_33] : memref<128x48xf32, #tpu.memory_space<vmem>>, vector<128x48xf32>
    %dot_general3A = arith.constant dense<0.000000e+00> : vector<1000x48xf32>
    %dot_general3A_35 = tpu.matmul %max3A_31, %get3A_34, %dot_general3A {dimension_numbers = #tpu.dot_dimension_numbers<[1], [0], [0], [1], [0, 0, 1, 1], [], []>, transpose_lhs_hint = false} : vector<1000x128xf32>, vector<128x48xf32>, vector<1000x48xf32> -> vector<1000x48xf32>
    %swap3A = arith.constant 0 : index
    %swap3A_36 = arith.constant 0 : index
    %swap3A_37 = vector.load %arg7[%swap3A, %swap3A_36] : memref<1000x48xf32, #tpu.memory_space<vmem>>, vector<1000x48xf32>
    tpu.vector_store %arg7[%swap3A, %swap3A_36], %dot_general3A_35 {strides = array<i32>} : memref<1000x48xf32, #tpu.memory_space<vmem>>, vector<1000x48xf32>,
    %get3A_38 = arith.constant 0 : index
    %get3A_39 = arith.constant 0 : index
    %get3A_40 = vector.load %arg5[%get3A_38, %get3A_39] : memref<128x47xf32, #tpu.memory_space<vmem>>, vector<128x47xf32>
    %dot_general3A_41 = arith.constant dense<0.000000e+00> : vector<1000x47xf32>
    %dot_general3A_42 = tpu.matmul %max3A_31, %get3A_40, %dot_general3A_41 {dimension_numbers = #tpu.dot_dimension_numbers<[1], [0], [0], [1], [0, 0, 1, 1], [], []>, transpose_lhs_hint = false} : vector<1000x128xf32>, vector<128x47xf32>, vector<1000x47xf32> -> vector<1000x47xf32>
    %get3A_43 = arith.constant 0 : index
    %get3A_44 = arith.constant 0 : index
    %get3A_45 = vector.load %arg6[%get3A_43, %get3A_44] : memref<1x47xf32, #tpu.memory_space<vmem>>, vector<1x47xf32>
    %add3A_46 = vector.broadcast %get3A_45 : vector<1x47xf32> to vector<1000x47xf32>
    %add3A_47 = arith.addf %dot_general3A_42, %add3A_46 : vector<1000x47xf32>
    %swap3A_48 = arith.constant 0 : index
    %swap3A_49 = arith.constant 0 : index
    %swap3A_50 = vector.load %arg8[%swap3A_48, %swap3A_49] : memref<1000x47xf32, #tpu.memory_space<vmem>>, vector<1000x47xf32>
    tpu.vector_store %arg8[%swap3A_48, %swap3A_49], %add3A_47 {strides = array<i32>} : memref<1000x47xf32, #tpu.memory_space<vmem>>, vector<1000x47xf32>,
    %swap3A_51 = arith.constant 0 : index
    %swap3A_52 = arith.constant 0 : index
    %swap3A_53 = vector.load %arg9[%swap3A_51, %swap3A_52] : memref<1000x1xf32, #tpu.memory_space<vmem>>, vector<1000x1xf32>
    tpu.vector_store %arg9[%swap3A_51, %swap3A_52], %div3A_23 {strides = array<i32>} : memref<1000x1xf32, #tpu.memory_space<vmem>>, vector<1000x1xf32>,
    return
  }
  func.func @transform_0(%arg0: i32) -> (i32, i32, i32) {
    %c0_i32 = arith.constant 0 : i32
    %c0_i32_0 = arith.constant 0 : i32
    %c0_i32_1 = arith.constant 0 : i32
    return %c0_i32, %arg0, %c0_i32_0 : i32, i32, i32
  }
  func.func @transform_1(%arg0: i32) -> (i32, i32, i32) {
    %c0_i32 = arith.constant 0 : i32
    %c0_i32_0 = arith.constant 0 : i32
    %c0_i32_1 = arith.constant 0 : i32
    return %c0_i32, %arg0, %c0_i32_0 : i32, i32, i32
  }
  func.func @transform_2(%arg0: i32) -> (i32, i32) {
    %c0_i32 = arith.constant 0 : i32
    %c0_i32_0 = arith.constant 0 : i32
    return %arg0, %c0_i32 : i32, i32
  }
  func.func @transform_3(%arg0: i32) -> (i32, i32) {
    %c0_i32 = arith.constant 0 : i32
    %c0_i32_0 = arith.constant 0 : i32
    %c0_i32_1 = arith.constant 0 : i32
    return %c0_i32, %c0_i32_0 : i32, i32
  }
  func.func @transform_4(%arg0: i32) -> (i32, i32) {
    %c0_i32 = arith.constant 0 : i32
    %c0_i32_0 = arith.constant 0 : i32
    %c0_i32_1 = arith.constant 0 : i32
    return %c0_i32, %c0_i32_0 : i32, i32
  }
  func.func @transform_5(%arg0: i32) -> (i32, i32) {
    %c0_i32 = arith.constant 0 : i32
    %c0_i32_0 = arith.constant 0 : i32
    %c0_i32_1 = arith.constant 0 : i32
    return %c0_i32, %c0_i32_0 : i32, i32
  }
  func.func @transform_6(%arg0: i32) -> (i32, i32) {
    %c0_i32 = arith.constant 0 : i32
    %c0_i32_0 = arith.constant 0 : i32
    return %arg0, %c0_i32 : i32, i32
  }
  func.func @transform_7(%arg0: i32) -> (i32, i32) {
    %c0_i32 = arith.constant 0 : i32
    %c0_i32_0 = arith.constant 0 : i32
    return %arg0, %c0_i32 : i32, i32
  }
  func.func @transform_8(%arg0: i32) -> (i32, i32) {
    %c0_i32 = arith.constant 0 : i32
    %c0_i32_0 = arith.constant 0 : i32
    return %arg0, %c0_i32 : i32, i32
  }
}

module attributes {stable_mosaic.version = 14 : i64} {
  func.func @_fin_body(%arg0: i32, %arg1: memref<2x1000x48xf32, #tpu.memory_space<vmem>>, %arg2: memref<1000x1xf32, #tpu.memory_space<vmem>>, %arg3: memref<1000x47xf32, #tpu.memory_space<vmem>>, %arg4: memref<1000x47xf32, #tpu.memory_space<vmem>>) attributes {dimension_semantics = [#tpu.dimension_semantics<arbitrary>], iteration_bounds = array<i64: 10>, scalar_prefetch = 0 : i64, scratch_operands = 0 : i64, tpu.core_type = #tpu.core_type<tc>, window_params = [{transform_indices = @transform_0, window_bounds = array<i64: 2, 1000, 48>}, {transform_indices = @transform_1, window_bounds = array<i64: 1000, 1>}, {transform_indices = @transform_2, window_bounds = array<i64: 1000, 47>}, {transform_indices = @transform_3, window_bounds = array<i64: 1000, 47>}]} {
    %get3A = arith.constant 0 : index
    %get3A_0 = arith.constant 0 : index
    %get3A_1 = arith.constant 0 : index
    %get3A_2 = vector.load %arg1[%get3A, %get3A_0, %get3A_1] : memref<2x1000x48xf32, #tpu.memory_space<vmem>>, vector<1x1000x48xf32>
    %get3A_3 = vector.shape_cast %get3A_2 : vector<1x1000x48xf32> to vector<1000x48xf32>
    %get3A_4 = arith.constant 1 : index
    %get3A_5 = arith.constant 0 : index
    %get3A_6 = arith.constant 0 : index
    %get3A_7 = vector.load %arg1[%get3A_4, %get3A_5, %get3A_6] : memref<2x1000x48xf32, #tpu.memory_space<vmem>>, vector<1x1000x48xf32>
    %get3A_8 = vector.shape_cast %get3A_7 : vector<1x1000x48xf32> to vector<1000x48xf32>
    %add3A = arith.addf %get3A_3, %get3A_8 : vector<1000x48xf32>
    %slice3A = vector.extract_strided_slice %add3A {offsets = [0, 0], sizes = [1000, 47], strides = [1, 1]} : vector<1000x48xf32> to vector<1000x47xf32>
    %get3A_9 = arith.constant 0 : index
    %get3A_10 = arith.constant 0 : index
    %get3A_11 = vector.load %arg2[%get3A_9, %get3A_10] : memref<1000x1xf32, #tpu.memory_space<vmem>>, vector<1000x1xf32>
    %mul3A = vector.broadcast %get3A_11 : vector<1000x1xf32> to vector<1000x47xf32>
    %mul3A_12 = arith.mulf %slice3A, %mul3A : vector<1000x47xf32>
    %get3A_13 = arith.constant 0 : index
    %get3A_14 = arith.constant 0 : index
    %get3A_15 = vector.load %arg3[%get3A_13, %get3A_14] : memref<1000x47xf32, #tpu.memory_space<vmem>>, vector<1000x47xf32>
    %add3A_16 = arith.addf %mul3A_12, %get3A_15 : vector<1000x47xf32>
    %swap3A = arith.constant 0 : index
    %swap3A_17 = arith.constant 0 : index
    %swap3A_18 = vector.load %arg4[%swap3A, %swap3A_17] : memref<1000x47xf32, #tpu.memory_space<vmem>>, vector<1000x47xf32>
    tpu.vector_store %arg4[%swap3A, %swap3A_17], %add3A_16 {strides = array<i32>} : memref<1000x47xf32, #tpu.memory_space<vmem>>, vector<1000x47xf32>,
    return
  }
  func.func @transform_0(%arg0: i32) -> (i32, i32, i32) {
    %c0_i32 = arith.constant 0 : i32
    %c0_i32_0 = arith.constant 0 : i32
    %c0_i32_1 = arith.constant 0 : i32
    return %c0_i32, %arg0, %c0_i32_0 : i32, i32, i32
  }
  func.func @transform_1(%arg0: i32) -> (i32, i32) {
    %c0_i32 = arith.constant 0 : i32
    %c0_i32_0 = arith.constant 0 : i32
    return %arg0, %c0_i32 : i32, i32
  }
  func.func @transform_2(%arg0: i32) -> (i32, i32) {
    %c0_i32 = arith.constant 0 : i32
    %c0_i32_0 = arith.constant 0 : i32
    return %arg0, %c0_i32 : i32, i32
  }
  func.func @transform_3(%arg0: i32) -> (i32, i32) {
    %c0_i32 = arith.constant 0 : i32
    %c0_i32_0 = arith.constant 0 : i32
    return %arg0, %c0_i32 : i32, i32
  }
}

</mosaic_0001>

<sc_bundles>
// kernel: kernel.10.cloned.1.call-start
scs
__scs_entry_jumppad:
0x0: {  	(pc) =	sbr.rel $0x88, $3  }
0x1: {  	(tag) =	ssettag $0x0;
	lr =	simm.s32 $0x1  }
0x2: {  	[smem:$0x3F99] =	sst lr;
	_ =	strace $0xD0000000  }
0x3: {  	_ = 	snop  }
0x4: {  	_ = 	snop  }
0x5: {  	_ = 	snop  }
0x6: {  	_ = 	snop  }
0x7: {  	_ = 	snop  }
__scs_overlays_trampoline_lowered:
0x8: {  	[smem:$0x3FA8] =	sst s0  }
0x9: {  	[smem:$0x3FA9] =	sst s1  }
0xa: {  	[smem:$0x3FAA] =	sst s2  }
0xb: {  	[smem:$0x3FAB] =	sst s3  }
0xc: {  	[smem:$0x3FAC] =	sst s4  }
0xd: {  	[smem:$0x3FAD] =	sst s5  }
0xe: {  	[smem:$0x3FAE] =	sst s6  }
0xf: {  	[smem:$0x3FAF] =	sst s7  }
0x10: {  	[smem:$0x3FB0] =	sst s8  }
0x11: {  	[smem:$0x3FB1] =	sst s9;
	s0 =	simm.s32 @!p0 $0x0  }
0x12: {  	s1 =	sld [smem:$0x3F97];
	s0 =	simm.s32 @p0 $0x1  }
0x13: {  	[smem:$0x3FB2] =	sst s0;
	s0 =	simm.s32 @!p1 $0x0  }
0x14: {  	s2 =	sld [smem:$0x3F96];
	s0 =	simm.s32 @p1 $0x1  }
0x15: {  	[smem:$0x3FB3] =	sst s0;
	s0 =	simm.s32 @!p2 $0x0  }
0x16: {  	s3 =	sld [smem:$0x3FDB];
	s0 =	simm.s32 @p2 $0x1  }
0x17: {  	s4 =	simm.s32 $0x1BF5;
	[smem:$0x3FB5] =	sst s0  }
0x18: {  	s0 =	sld [smem:$0x3F98];
	_ =	swait.ge [sflag:s4], $0x0  }
0x19: {  	s7 =	sld [smem:$0x3F99]  }
0x1a: {  	s8 =	sadd.s32 $0xFFFFE003, lr  }
0x1b: {  	s9 =	sadd.s32 $0xFFFFFEF7, lr;
	s5 =	simm.s32 $0xFFFFFFFF;
	p2 =	slt.u32 s8, $0xFFFFF086  }
0x1c: {  	p1 =	slt.u32 s9, $0xF7A;
	s5 =	simm.s32 @!p2 $0x0  }
0x1d: {  	s5 =	simm.s32 @p1 $0x1;
	p0 =	seq.s32 s7, s2  }
0x1e: {  	s7 =	smul.u32 @!p0 $0xF7A, s2;
	p2 =	seq.s32 @!p0 s5, $0x0  }
0x1f: {  	s9 =	smul.u32 $0xF7A, s1;
	s8 =	simm.s32 @!p0 $0x1BF5;
	p2 =	por !p2, p0  }
0x20: {  	[sflag:s8] =	ssyncset.s32 @!p0 $0xFFFFF086;
	s6 =	sadd.s32 @!p0 s3, s7;
	s7 =	simm.s32 @!p0 $0x108  }
0x21: {  	s3 =	sadd.s32 s3, s9;
	s6 =	sadd.s32 @!p0 $0x88, s6;
	s7 =	simm.s32 @p2 $0x1082  }
0x22: {  	[simem:s7], [sflag:s8] =	dma.local @!p0 [hbm:s6], $0xF7A  }
0x23: {  	s9 =	sor.u32 $0xD0000000, s2;
	s6 =	simm.s32 $0x108;
	_ =	swait.ge @!p0 [sflag:s8], $0x0  }
0x24: {  	s3 =	sadd.s32 $0x88, s3;
	s6 =	simm.s32 @!p1 $0x1082;
	[sflag:s4] =	ssyncset.s32 $0xFFFFF086  }
0x25: {  	[simem:s6], [sflag:s4] =	dma.local [hbm:s3], $0xF7A  }
0x26: {  	[smem:$0x3F99] =	sst s1;
	(tag) =	ssettag s2;
	_ =	strace s9  }
0x27: {  	s1 =	sld [smem:$0x3FA9]  }
0x28: {  	s2 =	sld [smem:$0x3FAA]  }
0x29: {  	s4 =	sld [smem:$0x3FAC]  }
0x2a: {  	p0 =	seq.s32 s5, $0x0;
	s5 =	sld [smem:$0x3FAD]  }
0x2b: {  	s6 =	sld [smem:$0x3FAE]  }
0x2c: {  	s7 =	sld [smem:$0x3FAF]  }
0x2d: {  	s3 =	simm.s32 $0x108;
	s8 =	sld [smem:$0x3FB0]  }
0x2e: {  	s3 =	simm.s32 @!p0 $0x1082;
	s9 =	sld [smem:$0x3FB1]  }
0x2f: {  	lr =	sadd.s32 s0, s3;
	s0 =	sld [smem:$0x3FA8]  }
0x30: {  	s3 =	sld [smem:$0x3FAB]  }
0x31: {  	[smem:$0x3FB4] =	sst s10  }
0x32: {  	s10 =	sld [smem:$0x3FB2];
	_ =	sdelay $0x3  }
0x33: {  	p0 =	seq.s32 s10, $0x1;
	s10 =	sld [smem:$0x3FB4];
	_ =	sdelay $0x3  }
0x34: {  	[smem:$0x3FB4] =	sst s10  }
0x35: {  	s10 =	sld [smem:$0x3FB3];
	_ =	sdelay $0x3  }
0x36: {  	p1 =	seq.s32 s10, $0x1;
	s10 =	sld [smem:$0x3FB4];
	_ =	sdelay $0x3  }
0x37: {  	[smem:$0x3FB4] =	sst s10  }
0x38: {  	s10 =	sld [smem:$0x3FB5]  }
0x39: {  	_ = 	snop;
	(pc) =	sbr.ind lr, $3  }
0x3a: {  	_ = 	snop  }
0x3b: {  	_ = 	snop  }
0x3c: {  	p2 =	seq.s32 s10, $0x1;
	s10 =	sld [smem:$0x3FB4]  }
0x3d: {  	_ =	shalt  }
0x3e: {  	_ =	shalt  }
0x3f: {  	_ =	shalt  }
0x40: {  	_ =	shalt  }
0x41: {  	_ =	shalt  }
0x42: {  	_ =	shalt  }
0x43: {  	_ =	shalt  }
0x44: {  	_ =	shalt  }
0x45: {  	_ =	shalt  }
0x46: {  	_ =	shalt  }
0x47: {  	_ =	shalt  }
0x48: {  	_ =	shalt  }
0x49: {  	_ =	shalt  }
0x4a: {  	_ =	shalt  }
0x4b: {  	_ =	shalt  }
0x4c: {  	_ =	shalt  }
0x4d: {  	_ =	shalt  }
0x4e: {  	_ =	shalt  }
0x4f: {  	_ =	shalt  }
0x50: {  	_ =	shalt  }
0x51: {  	_ =	shalt  }
0x52: {  	_ =	shalt  }
0x53: {  	_ =	shalt  }
0x54: {  	_ =	shalt  }
0x55: {  	_ =	shalt  }
0x56: {  	_ =	shalt  }
0x57: {  	_ =	shalt  }
0x58: {  	_ =	shalt  }
0x59: {  	_ =	shalt  }
0x5a: {  	_ =	shalt  }
0x5b: {  	_ =	shalt  }
0x5c: {  	_ =	shalt  }
0x5d: {  	_ =	shalt  }
0x5e: {  	_ =	shalt  }
0x5f: {  	_ =	shalt  }
0x60: {  	_ =	shalt  }
0x61: {  	_ =	shalt  }
0x62: {  	_ =	shalt  }
0x63: {  	_ =	shalt  }
0x64: {  	_ =	shalt  }
0x65: {  	_ =	shalt  }
0x66: {  	_ =	shalt  }
0x67: {  	_ =	shalt  }
0x68: {  	_ =	shalt  }
0x69: {  	_ =	shalt  }
0x6a: {  	_ =	shalt  }
0x6b: {  	_ =	shalt  }
0x6c: {  	_ =	shalt  }
0x6d: {  	_ =	shalt  }
0x6e: {  	_ =	shalt  }
0x6f: {  	_ =	shalt  }
0x70: {  	_ =	shalt  }
0x71: {  	_ =	shalt  }
0x72: {  	_ =	shalt  }
0x73: {  	_ =	shalt  }
0x74: {  	_ =	shalt  }
0x75: {  	_ =	shalt  }
0x76: {  	_ =	shalt  }
0x77: {  	_ =	shalt  }
0x78: {  	_ =	shalt  }
0x79: {  	_ =	shalt  }
0x7a: {  	_ =	shalt  }
0x7b: {  	_ =	shalt  }
0x7c: {  	_ =	shalt  }
0x7d: {  	_ =	shalt  }
0x7e: {  	_ =	shalt  }
0x7f: {  	_ =	shalt  }
0x80: {  	_ =	shalt  }
0x81: {  	_ =	shalt  }
0x82: {  	_ =	shalt  }
0x83: {  	_ =	shalt  }
0x84: {  	_ =	shalt  }
0x85: {  	_ =	shalt  }
0x86: {  	_ =	shalt  }
0x87: {  	_ =	shalt  }
.Lfunc_end0:
.L_simem_size_0:
called_computation.1_lowered:
.L_overlay_start_0:
0x88: {  	s2 =	sld [smem:$0x3FD9]  }
0x89: {  	s3 =	sld [smem:$0x3FFE];
	_ =	sdelay $0x1  }
0x8a: {  	s1 =	srdreg.scid  }
0x8b: {  	s0 =	sand.u32 $0x1, s1  }
0x8c: {  	s17 =	sshll.u32 s0, $0xA;
	s2 =	sadd.s32 s3, s2  }
0x8d: {  	s2 =	sadd.s32 s2, s17  }
0x8e: {  	[smem:$0x3FC0] =	sst s2  }
0x8f: {  	_ = 	snop  }
0x90: {  	s2 =	sld [smem:$0x3FD0];
	(tm) =	ssettm $0x1  }
0x91: {  	s18 =	sld [smem:$0x3FFB];
	_ =	sdelay $0x3  }
0x92: {  	_ =	strace s18  }
0x93: {  	s3 =	sld [smem:$0x3FFC];
	_ =	sdelay $0x3  }
0x94: {  	_ =	strace s3  }
0x95: {  	s3 =	sld [smem:$0x3FFD];
	_ =	sdelay $0x3  }
0x96: {  	_ =	strace s3  }
0x97: {  	_ =	strace $0x8FFFFFFF  }
0x98: {  	s19 =	sld [smem:$0x3FDB];
	_ =	sdelay $0x1  }
0x99: {  	s4 =	simm.s32 $_scs_section_size  }
0x9a: {  	s5 =	simm.s32 $_size__tile_overlayer_lowered;
	s6 =	simm.s32 $_tile_overlayer_lowered  }
0x9b: {  	s22 =	simm.s32 $0x1BFF;
	s21 =	sshll.u32 s6, $0x1;
	s3 =	sadd.s32 s4, s19  }
0x9c: {  	s7 =	simm.s32 $0x0;
	s20 =	sshll.u32 s5, $0x1;
	s5 =	sadd.s32 s21, s3  }
0x9d: {  	[timem:s7], [sflag:s22] =	dma.local [hbm:s5], s20  }
0x9e: {  	_ =	swait.ge [sflag:s22], s20  }
0x9f: {  	s4 =	ssub.s32 $0x0, s20;
	[sflag:s22] =	ssyncset.done $0x0  }
0xa0: {  	[sflag:s22] =	ssyncadd.s32 s4;
	_ =	sdelay $0x1  }
0xa1: {  	s23 =	simm.s32 $0x1B8B  }
0xa2: {  	_ =	swait.ge [sflag:s23], $0x1  }
0xa3: {  	[sflag:s23] =	ssyncset.done $0x0  }
0xa4: {  	s25 =	simm.s32 $0x1B8E;
	s24 =	sld [smem:$0x3FFE];
	[sflag:s23] =	ssyncadd.s32 $0xFFFFFFFF  }
0xa5: {  	s26 =	simm.s32 $execute0_lowered;
	[smem:$0x3FD2] =	sst s25  }
0xa6: {  	s5 =	sshll.u32 s26, $0x1;
	_ =	strace $0x80000049;
	[dreg:$0x1] =	wrdreg $0xFFFFFFFF  }
0xa7: {  	s28 =	simm.s32 $_size_execute0_lowered;
	s3 =	sadd.s32 s3, s5;
	[dreg:$0x0] =	wrdreg $0x0  }
0xa8: {  	s5 =	sshll.u32 s28, $0x1;
	[dreg:$0x2] =	wrdreg s3  }
0xa9: {  	[dreg:$0x3] =	wrdreg s5  }
0xaa: {  	[dreg:$0x4] =	wrdreg $0xC0  }
0xab: {  	_ =	task [dreg:s7], $0x5FFFF  }
0xac: {  	[dreg:$0x1] =	wrdreg $0xFFFFFFFF  }
0xad: {  	[dreg:$0x0] =	wrdreg $0x60  }
0xae: {  	[dreg:$0x2] =	wrdreg s24  }
0xaf: {  	[dreg:$0x3] =	wrdreg s2  }
0xb0: {  	[dreg:$0x4] =	wrdreg $0xB0000  }
0xb1: {  	[dreg:$0x5] =	wrdreg $0x125600  }
0xb2: {  	[dreg:$0x6] =	wrdreg $0x9  }
0xb3: {  	_ =	task.clear_ibuf [dreg:s7], $0x7FFFF;
	_ =	strace $0x90000049  }
0xb4: {  	s29 =	simm.s32 $0x9;
	_ =	strace $0x8000004B  }
0xb5: {  	_ =	swait.ge [sflag:s29], $0x1  }
0xb6: {  	[sflag:s29] =	ssyncadd.s32 $0xFFFFFFFF  }
0xb7: {  	_ =	strace $0x9000004B  }
0xb8: {  	_ =	sfence  }
0xb9: {  	s30 =	sld [smem:$0x0];
	_ =	sdelay $0x2  }
0xba: {  	s31 =	sshll.u32 s1, $0xD;
	s1 =	sshrl.u32 s1, $0x2  }
0xbb: {  	s3 =	sand.u32 $0x4000, s31;
	s1 =	sadd.s32 s1, s30  }
0xbc: {  	s0 =	sor.u32 s3, s0;
	s1 =	sshll.u32 s1, $0x11  }
0xbd: {  	s0 =	sor.u32 s1, s0  }
0xbe: {  	s0 =	sadd.s32 $0x8F2B, s0  }
0xbf: {  	[sflag:s0] =	ssyncadd.remote.s32 $0x1  }
0xc0: {  	_ =	sfence.sel $0xFFFF  }
0xc1: {  	[dreg:$0x0] =	wrdreg $0xFFFFFFFF;
	(pc) =	sbr.abs _section_cstart, $3  }
0xc2: {  	[dreg:$0x1] =	wrdreg $0xFFFFFFFF  }
0xc3: {  	_ =	task.clear_ibuf [dreg:s7], $0x2FFFF;
	_ =	strace $0x9FFFFFFF  }
0xc4: {  	(tm) =	ssettm $0x7FFFFFFF  }
0xc5: {  	_ =	shalt  }
tec
execute0_lowered:
.L_overlay_start_1:
0x0: {  	(tag) =	ssettag $0x1  }
0x1: {  	s0 =	rddreg [dreg:$0x0]  }
0x2: {  	s1 =	rddreg [dreg:$0x1]  }
0x3: {  	s14 =	stileid.u32;
	s3 =	srdreg.scid  }
0x4: {  	s2 =	rddreg [dreg:$0x2];
	s4 =	simm.s32 $0x0;
	s16 =	simm.s32 $0x80  }
0x5: {  	s17 =	simm.s32 $0x5000;
	s18 =	simm.s32 $0x6800;
	s7 =	smul.u32 $0x7530, s14  }
0x6: {  	s28 =	simm.s32 $0x4E00;
	s29 =	simm.s32 $0x4E80;
	s6 =	smul.u32 $0x5000, s14  }
0x7: {  	s30 =	simm.s32 $0x4F00;
	s5 =	sand.u32 $0x1, s3;
	s9 =	smul.u32 $0x7560, s14  }
0x8: {  	s31 =	simm.s32 $0x4F80;
	s3 =	rddreg [dreg:$0x3];
	s8 =	smul.u32 $0x2800, s5  }
0x9: {  	[smem:$0x7FF] =	sst s4;
	s25 =	sshll.u32 s14, $0x6;
	s11 =	smul.u32 $0x75600, s5  }
0xa: {  	_ =	strace $0x8000004A;
	s5 =	ssub.s32 $0x2, s5;
	s10 =	sshrl.u32 s7, $0x3  }
0xb: {  	s23 =	sshrl.u32 s5, $0x1;
	s24 =	sshrl.u32 s9, $0x3;
	s13 =	sadd.s32 s9, s2  }
0xc: {  	s26 =	sadd.s32 s7, s3;
	s10 =	sadd.s32 s10, s0;
	s6 =	sadd.s32 s8, s6  }
0xd: {  	s20 =	sadd.s32 s9, s11;
	s12 =	ssub.s32 s5, s23;
	s5 =	sadd.s32 s1, s24  }
0xe: {  	s14 =	sshrl.u32 s26, $0x3;
	s23 =	simm.s32 $0x1;
	s24 =	simm.s32 $0x2  }
0xf: {  	s26 =	simm.s32 $0x4;
	s1 =	simm.s32 $0x0;
	s6 =	sshrl.u32 s6, $0x3  }
0x10: {  	s22 =	sshrl.u32 s20, $0x3;
	s7 =	sadd.s32 $0x1A00, s10;
	s11 =	smax.u32 s12, $0x1  }
0x11: {  	s12 =	sshrl.u32 s13, $0x3;
	s13 =	simm.s32 $0x5;
	s20 =	simm.s32 $0x8000  }
0x12: {  	s21 =	sadd.s32 s6, s0;
	s0 =	sadd.s32 s22, s0;
	s6 =	sor.u32 $0x1C05, s25  }
0x13: {  	s22 =	simm.s32 $0x9800;
	s25 =	simm.s32 $0x3;
	s8 =	sadd.s32 $0x32E00, s21  }
0x14: {  	s9 =	sadd.s32 $0x28E00, s21;
	s10 =	sadd.s32 $0x3CE00, s0;
	s21 =	simm.s32 $0x180  }
.LBB2_1:
0x15: {  	[spmem:s12], [sflag:s6] =	dma.local [hbm:s5], $0xEAC  }
0x16: {  	_ =	swait.ge [sflag:s13], $0xEAC  }
0x17: {  	[sflag:s13] =	ssyncset.done $0x0  }
0x18: {  	[sflag:s13] =	ssyncadd.s32 $0xFFFFF154  }
0x19: {  	[spmem:s14], [sflag:s6] =	dma.local [hbm:s7], $0xEA6  }
0x1a: {  	_ =	swait.ge [sflag:s13], $0xEA6  }
0x1b: {  	[sflag:s13] =	ssyncset.done $0x0  }
0x1c: {  	[sflag:s13] =	ssyncadd.s32 $0xFFFFF15A  }
0x1d: {  	[bflag:$0x0] =	sbarrier.arrive $0xFFFF  }
0x1e: {  	[tilespmem:s4], [sflag:$0x5] =	stream.linear.gather [hbm4b:s8+s4], $0x2800, $0x38;
	[tilespmem:$0x19A90] =	vst v63  }
0x1f: {  	_ =	swait.ge [sflag:s13], $0x2800  }
0x20: {  	[sflag:s13] =	ssyncset.done $0x0  }
0x21: {  	s0 =	simm.s32 $0x2800;
	[sflag:s13] =	ssyncadd.s32 $0xFFFFD800  }
0x22: {  	[tilespmem:s0], [sflag:$0x5] =	stream.linear.gather [hbm4b:s9+s4], $0x2800, $0x38;
	[tilespmem:$0x19A90] =	vst v63  }
0x23: {  	_ =	swait.ge [sflag:s13], $0x2800  }
0x24: {  	[sflag:s13] =	ssyncset.done $0x0  }
0x25: {  	[sflag:s13] =	ssyncadd.s32 $0xFFFFD800  }
0x26: {  	[tilespmem:s17], [sflag:$0x1] =	stream.indirect.gather [spmem:s3], $0x30, s4, s16, $0xb8;
	[tilespmem:$0x19A90] =	vst v63  }
0x27: {  	_ = 	snop  }
0x28: {  	[tilespmem:s18], [sflag:$0x2] =	stream.indirect.gather [spmem:s3], $0x30, s16, s16, $0xb8;
	[tilespmem:$0x19A90] =	vst v63  }
0x29: {  	s15 =	simm.s32 $0x100  }
0x2a: {  	[tilespmem:s20], [sflag:$0x3] =	stream.indirect.gather [spmem:s3], $0x30, s15, s16, $0xb8;
	[tilespmem:$0x19A90] =	vst v63  }
0x2b: {  	_ = 	snop  }
0x2c: {  	[tilespmem:s22], [sflag:$0x4] =	stream.indirect.gather [spmem:s3], $0x30, s21, s16, $0xb8;
	[tilespmem:$0x19A90] =	vst v63  }
0x2d: {  	_ =	swait.ge [sflag:s23], $0x1800  }
0x2e: {  	[sflag:s23] =	ssyncset.done $0x0  }
0x2f: {  	s19 =	simm.s32 $0x2800;
	[sflag:s23] =	ssyncadd.s32 $0xFFFFE800  }
0x30: {  	[spmem:s2] =	stream.indirect.scatter.add.f32 [tilespmem:s17], [sflag:$0x5], $0x30, s19, s16, $0xb8;
	[tilespmem:$0x19A90] =	vst v63  }
0x31: {  	_ =	swait.ge [sflag:s13], $0x1800  }
0x32: {  	[sflag:s13] =	ssyncset.done $0x0  }
0x33: {  	s15 =	simm.s32 $0x200;
	[sflag:s13] =	ssyncadd.s32 $0xFFFFE800  }
0x34: {  	[tilespmem:s17], [sflag:$0x1] =	stream.indirect.gather [spmem:s3], $0x30, s15, s16, $0xb8;
	[tilespmem:$0x19A90] =	vst v63  }
0x35: {  	_ =	swait.ge [sflag:s24], $0x1800  }
0x36: {  	[sflag:s24] =	ssyncset.done $0x0  }
0x37: {  	s19 =	simm.s32 $0x2880;
	[sflag:s24] =	ssyncadd.s32 $0xFFFFE800  }
0x38: {  	[spmem:s2] =	stream.indirect.scatter.add.f32 [tilespmem:s18], [sflag:$0x5], $0x30, s19, s16, $0xb8;
	[tilespmem:$0x19A90] =	vst v63  }
0x39: {  	_ =	swait.ge [sflag:s13], $0x1800  }
0x3a: {  	[sflag:s13] =	ssyncset.done $0x0  }
0x3b: {  	s15 =	simm.s32 $0x280;
	[sflag:s13] =	ssyncadd.s32 $0xFFFFE800  }
0x3c: {  	[tilespmem:s18], [sflag:$0x2] =	stream.indirect.gather [spmem:s3], $0x30, s15, s16, $0xb8;
	[tilespmem:$0x19A90] =	vst v63  }
0x3d: {  	_ =	swait.ge [sflag:s25], $0x1800  }
0x3e: {  	[sflag:s25] =	ssyncset.done $0x0  }
0x3f: {  	s19 =	simm.s32 $0x2900;
	[sflag:s25] =	ssyncadd.s32 $0xFFFFE800  }
0x40: {  	[spmem:s2] =	stream.indirect.scatter.add.f32 [tilespmem:s20], [sflag:$0x5], $0x30, s19, s16, $0xb8;
	[tilespmem:$0x19A90] =	vst v63  }
0x41: {  	_ =	swait.ge [sflag:s13], $0x1800  }
0x42: {  	[sflag:s13] =	ssyncset.done $0x0  }
0x43: {  	s15 =	simm.s32 $0x300;
	[sflag:s13] =	ssyncadd.s32 $0xFFFFE800  }
0x44: {  	[tilespmem:s20], [sflag:$0x3] =	stream.indirect.gather [spmem:s3], $0x30, s15, s16, $0xb8;
	[tilespmem:$0x19A90] =	vst v63  }
0x45: {  	_ =	swait.ge [sflag:s26], $0x1800  }
0x46: {  	[sflag:s26] =	ssyncset.done $0x0  }
0x47: {  	s19 =	simm.s32 $0x2980;
	[sflag:s26] =	ssyncadd.s32 $0xFFFFE800  }
0x48: {  	[spmem:s2] =	stream.indirect.scatter.add.f32 [tilespmem:s22], [sflag:$0x5], $0x30, s19, s16, $0xb8;
	[tilespmem:$0x19A90] =	vst v63  }
0x49: {  	_ =	swait.ge [sflag:s13], $0x1800  }
0x4a: {  	[sflag:s13] =	ssyncset.done $0x0  }
0x4b: {  	s0 =	simm.s32 $0x800;
	s15 =	simm.s32 $0x380;
	[sflag:s13] =	ssyncadd.s32 $0xFFFFE800  }
.LBB2_2:
0x4c: {  	[tilespmem:s22], [sflag:$0x4] =	stream.indirect.gather [spmem:s3], $0x30, s15, s16, $0xb8;
	[tilespmem:$0x19A90] =	vst v63  }
0x4d: {  	s15 =	smov.u32 s0  }
0x4e: {  	p0 =	sne.s32 s0, $0x9000;
	s0 =	sadd.s32 $0x800, s0;
	_ =	swait.ge [sflag:s23], $0x1800  }
0x4f: {  	s15 =	sshra.s32 s15, $0x2;
	[sflag:s23] =	ssyncset.done $0x0  }
0x50: {  	s19 =	sadd.s32 $0x2800, s15;
	[sflag:s23] =	ssyncadd.s32 $0xFFFFE800  }
0x51: {  	[spmem:s2] =	stream.indirect.scatter.add.f32 [tilespmem:s17], [sflag:$0x5], $0x30, s19, s16, $0xb8;
	[tilespmem:$0x19A90] =	vst v63  }
0x52: {  	_ =	swait.ge [sflag:s13], $0x1800  }
0x53: {  	[sflag:s13] =	ssyncset.done $0x0  }
0x54: {  	s19 =	sadd.s32 $0x200, s15;
	[sflag:s13] =	ssyncadd.s32 $0xFFFFE800  }
0x55: {  	[tilespmem:s17], [sflag:$0x1] =	stream.indirect.gather [spmem:s3], $0x30, s19, s16, $0xb8;
	[tilespmem:$0x19A90] =	vst v63  }
0x56: {  	_ =	swait.ge [sflag:s24], $0x1800  }
0x57: {  	[sflag:s24] =	ssyncset.done $0x0  }
0x58: {  	s19 =	sadd.s32 $0x2880, s15;
	[sflag:s24] =	ssyncadd.s32 $0xFFFFE800  }
0x59: {  	[spmem:s2] =	stream.indirect.scatter.add.f32 [tilespmem:s18], [sflag:$0x5], $0x30, s19, s16, $0xb8;
	[tilespmem:$0x19A90] =	vst v63  }
0x5a: {  	_ =	swait.ge [sflag:s13], $0x1800  }
0x5b: {  	[sflag:s13] =	ssyncset.done $0x0  }
0x5c: {  	s19 =	sadd.s32 $0x280, s15;
	[sflag:s13] =	ssyncadd.s32 $0xFFFFE800  }
0x5d: {  	[tilespmem:s18], [sflag:$0x2] =	stream.indirect.gather [spmem:s3], $0x30, s19, s16, $0xb8;
	[tilespmem:$0x19A90] =	vst v63  }
0x5e: {  	_ =	swait.ge [sflag:s25], $0x1800  }
0x5f: {  	[sflag:s25] =	ssyncset.done $0x0  }
0x60: {  	s19 =	sadd.s32 $0x2900, s15;
	[sflag:s25] =	ssyncadd.s32 $0xFFFFE800  }
0x61: {  	[spmem:s2] =	stream.indirect.scatter.add.f32 [tilespmem:s20], [sflag:$0x5], $0x30, s19, s16, $0xb8;
	[tilespmem:$0x19A90] =	vst v63  }
0x62: {  	_ =	swait.ge [sflag:s13], $0x1800  }
0x63: {  	[sflag:s13] =	ssyncset.done $0x0  }
0x64: {  	s19 =	sadd.s32 $0x300, s15;
	[sflag:s13] =	ssyncadd.s32 $0xFFFFE800  }
0x65: {  	[tilespmem:s20], [sflag:$0x3] =	stream.indirect.gather [spmem:s3], $0x30, s19, s16, $0xb8;
	[tilespmem:$0x19A90] =	vst v63  }
0x66: {  	_ =	swait.ge [sflag:s26], $0x1800  }
0x67: {  	[sflag:s26] =	ssyncset.done $0x0  }
.Ltmp0:
0x68: {  	s19 =	sadd.s32 $0x2980, s15;
	[sflag:s26] =	ssyncadd.s32 $0xFFFFE800;
	(pc) =	sbr.rel @p0 .LBB2_2-.Ltmp0, $4  }
0x69: {  	[spmem:s2] =	stream.indirect.scatter.add.f32 [tilespmem:s22], [sflag:$0x5], $0x30, s19, s16, $0xb8;
	[tilespmem:$0x19A90] =	vst v63  }
0x6a: {  	_ =	swait.ge [sflag:s13], $0x1800  }
0x6b: {  	[sflag:s13] =	ssyncset.done $0x0  }
0x6c: {  	s15 =	sadd.s32 $0x380, s15;
	[sflag:s13] =	ssyncadd.s32 $0xFFFFE800  }
0x6d: {  	[tilespmem:s22], [sflag:$0x4] =	stream.indirect.gather [spmem:s3], $0x30, s15, s16, $0xb8;
	[tilespmem:$0x19A90] =	vst v63  }
0x6e: {  	_ =	swait.ge [sflag:s23], $0x1800  }
0x6f: {  	[sflag:s23] =	ssyncset.done $0x0  }
0x70: {  	[sflag:s23] =	ssyncadd.s32 $0xFFFFE800  }
0x71: {  	[spmem:s2] =	stream.indirect.scatter.add.f32 [tilespmem:s17], [sflag:$0x5], $0x30, s28, s16, $0xb8;
	[tilespmem:$0x19A90] =	vst v63  }
0x72: {  	_ =	swait.ge [sflag:s13], $0x1800  }
0x73: {  	[sflag:s13] =	ssyncset.done $0x0  }
0x74: {  	[sflag:s13] =	ssyncadd.s32 $0xFFFFE800  }
0x75: {  	_ =	swait.ge [sflag:s24], $0x1800  }
0x76: {  	[sflag:s24] =	ssyncset.done $0x0  }
0x77: {  	[sflag:s24] =	ssyncadd.s32 $0xFFFFE800  }
0x78: {  	[spmem:s2] =	stream.indirect.scatter.add.f32 [tilespmem:s18], [sflag:$0x5], $0x30, s29, s16, $0xb8;
	[tilespmem:$0x19A90] =	vst v63  }
0x79: {  	_ =	swait.ge [sflag:s13], $0x1800  }
0x7a: {  	[sflag:s13] =	ssyncset.done $0x0  }
0x7b: {  	[sflag:s13] =	ssyncadd.s32 $0xFFFFE800  }
0x7c: {  	_ =	swait.ge [sflag:s25], $0x1800  }
0x7d: {  	[sflag:s25] =	ssyncset.done $0x0  }
0x7e: {  	[sflag:s25] =	ssyncadd.s32 $0xFFFFE800  }
0x7f: {  	[spmem:s2] =	stream.indirect.scatter.add.f32 [tilespmem:s20], [sflag:$0x5], $0x30, s30, s16, $0xb8;
	[tilespmem:$0x19A90] =	vst v63  }
0x80: {  	_ =	swait.ge [sflag:s13], $0x1800  }
0x81: {  	[sflag:s13] =	ssyncset.done $0x0  }
0x82: {  	[sflag:s13] =	ssyncadd.s32 $0xFFFFE800  }
0x83: {  	_ =	swait.ge [sflag:s26], $0x1800  }
0x84: {  	[sflag:s26] =	ssyncset.done $0x0  }
0x85: {  	[sflag:s26] =	ssyncadd.s32 $0xFFFFE800  }
0x86: {  	[spmem:s2] =	stream.indirect.scatter.add.f32 [tilespmem:s22], [sflag:$0x5], $0x30, s31, s16, $0xb8;
	[tilespmem:$0x19A90] =	vst v63  }
0x87: {  	_ =	swait.ge [sflag:s13], $0x1800  }
0x88: {  	s1 =	sadd.s32 $0x1, s1;
	[sflag:s13] =	ssyncset.done $0x0  }
0x89: {  	p0 =	sne.s32 s1, s11;
	[sflag:s13] =	ssyncadd.s32 $0xFFFFE800  }
.Ltmp1:
0x8a: {  	[bflag:$0x0] =	sbarrier.arrive $0xFFFF;
	(pc) =	sbr.rel @p0 .LBB2_1-.Ltmp1, $4  }
0x8b: {  	[hbm:s10], [sflag:s6] =	dma.local [spmem:s12], $0xEAC  }
0x8c: {  	_ =	swait.ge [sflag:s13], $0xEAC  }
0x8d: {  	[sflag:s13] =	ssyncset.done $0x0  }
0x8e: {  	[sflag:s13] =	ssyncadd.s32 $0xFFFFF154  }
0x8f: {  	_ =	sfence.sel $0x180000  }
0x90: {  	[bflag:$0x0] =	sbarrier.arrive $0xFFFF  }
0x91: {  	_ =	strace $0x9000004A  }
0x92: {  	s0 =	stileid.u32;
	[bflag:$0x2] =	sbarrier.arrive $0xFFFF  }
0x93: {  	p0 =	sne.s32 s0, $0x0;
	s0 =	rddreg [dreg:$0x4]  }
0x94: {  	s0 =	sadd.s32 @!p0 $0x100000, s0  }
0x95: {  	[sflag:s0] =	ssyncadd.tile.s32 @!p0 $0x1;
	_ =	shalt  }
.Lfunc_end2:
_tile_overlayer_lowered:
.L_overlay_start_2:
0x96: {  	(tag) =	ssettag $0x2  }
0x97: {  	s0 =	rddreg [dreg:$0x0];
	s2 =	stileid.u32  }
0x98: {  	s1 =	rddreg [dreg:$0x1];
	p0 =	sne.s32 s2, $0x0  }
0x99: {  	s3 =	rddreg [dreg:$0x2];
	[bflag:$0x3] =	sbarrier.arrive $0xFFFF;
	s2 =	simm.s32 @!p0 $0x1C05  }
0x9a: {  	[timem:s3], [sflag:s2] =	dma.local @!p0 [hbm:s0], s1  }
0x9b: {  	s0 =	simm.s32 @!p0 $0x5  }
0x9c: {  	_ =	swait.ge @!p0 [sflag:s0], s1  }
0x9d: {  	s1 =	ssub.s32 @!p0 $0x0, s1;
	[sflag:s0] =	ssyncset.done @!p0 $0x0  }
0x9e: {  	[sflag:s0] =	ssyncadd.s32 @!p0 s1  }
0x9f: {  	[bflag:$0x3] =	sbarrier.arrive $0xFFFF  }
0xa0: {  	_ =	shalt  }

// kernel: kernel.7.cloned.1.call-start
scs
__scs_entry_jumppad:
0x0: {  	(pc) =	sbr.rel $0x88, $3  }
0x1: {  	(tag) =	ssettag $0x0;
	lr =	simm.s32 $0x1  }
0x2: {  	[smem:$0x3F99] =	sst lr;
	_ =	strace $0xD0000000  }
0x3: {  	_ = 	snop  }
0x4: {  	_ = 	snop  }
0x5: {  	_ = 	snop  }
0x6: {  	_ = 	snop  }
0x7: {  	_ = 	snop  }
__scs_overlays_trampoline_lowered:
0x8: {  	[smem:$0x3FA8] =	sst s0  }
0x9: {  	[smem:$0x3FA9] =	sst s1  }
0xa: {  	[smem:$0x3FAA] =	sst s2  }
0xb: {  	[smem:$0x3FAB] =	sst s3  }
0xc: {  	[smem:$0x3FAC] =	sst s4  }
0xd: {  	[smem:$0x3FAD] =	sst s5  }
0xe: {  	[smem:$0x3FAE] =	sst s6  }
0xf: {  	[smem:$0x3FAF] =	sst s7  }
0x10: {  	[smem:$0x3FB0] =	sst s8  }
0x11: {  	[smem:$0x3FB1] =	sst s9;
	s0 =	simm.s32 @!p0 $0x0  }
0x12: {  	s1 =	sld [smem:$0x3F97];
	s0 =	simm.s32 @p0 $0x1  }
0x13: {  	[smem:$0x3FB2] =	sst s0;
	s0 =	simm.s32 @!p1 $0x0  }
0x14: {  	s2 =	sld [smem:$0x3F96];
	s0 =	simm.s32 @p1 $0x1  }
0x15: {  	[smem:$0x3FB3] =	sst s0;
	s0 =	simm.s32 @!p2 $0x0  }
0x16: {  	s3 =	sld [smem:$0x3FDB];
	s0 =	simm.s32 @p2 $0x1  }
0x17: {  	s4 =	simm.s32 $0x1BF5;
	[smem:$0x3FB5] =	sst s0  }
0x18: {  	s0 =	sld [smem:$0x3F98];
	_ =	swait.ge [sflag:s4], $0x0  }
0x19: {  	s7 =	sld [smem:$0x3F99]  }
0x1a: {  	s8 =	sadd.s32 $0xFFFFE003, lr  }
0x1b: {  	s9 =	sadd.s32 $0xFFFFFEF7, lr;
	s5 =	simm.s32 $0xFFFFFFFF;
	p2 =	slt.u32 s8, $0xFFFFF086  }
0x1c: {  	p1 =	slt.u32 s9, $0xF7A;
	s5 =	simm.s32 @!p2 $0x0  }
0x1d: {  	s5 =	simm.s32 @p1 $0x1;
	p0 =	seq.s32 s7, s2  }
0x1e: {  	s7 =	smul.u32 @!p0 $0xF7A, s2;
	p2 =	seq.s32 @!p0 s5, $0x0  }
0x1f: {  	s9 =	smul.u32 $0xF7A, s1;
	s8 =	simm.s32 @!p0 $0x1BF5;
	p2 =	por !p2, p0  }
0x20: {  	[sflag:s8] =	ssyncset.s32 @!p0 $0xFFFFF086;
	s6 =	sadd.s32 @!p0 s3, s7;
	s7 =	simm.s32 @!p0 $0x108  }
0x21: {  	s3 =	sadd.s32 s3, s9;
	s6 =	sadd.s32 @!p0 $0x88, s6;
	s7 =	simm.s32 @p2 $0x1082  }
0x22: {  	[simem:s7], [sflag:s8] =	dma.local @!p0 [hbm:s6], $0xF7A  }
0x23: {  	s9 =	sor.u32 $0xD0000000, s2;
	s6 =	simm.s32 $0x108;
	_ =	swait.ge @!p0 [sflag:s8], $0x0  }
0x24: {  	s3 =	sadd.s32 $0x88, s3;
	s6 =	simm.s32 @!p1 $0x1082;
	[sflag:s4] =	ssyncset.s32 $0xFFFFF086  }
0x25: {  	[simem:s6], [sflag:s4] =	dma.local [hbm:s3], $0xF7A  }
0x26: {  	[smem:$0x3F99] =	sst s1;
	(tag) =	ssettag s2;
	_ =	strace s9  }
0x27: {  	s1 =	sld [smem:$0x3FA9]  }
0x28: {  	s2 =	sld [smem:$0x3FAA]  }
0x29: {  	s4 =	sld [smem:$0x3FAC]  }
0x2a: {  	p0 =	seq.s32 s5, $0x0;
	s5 =	sld [smem:$0x3FAD]  }
0x2b: {  	s6 =	sld [smem:$0x3FAE]  }
0x2c: {  	s7 =	sld [smem:$0x3FAF]  }
0x2d: {  	s3 =	simm.s32 $0x108;
	s8 =	sld [smem:$0x3FB0]  }
0x2e: {  	s3 =	simm.s32 @!p0 $0x1082;
	s9 =	sld [smem:$0x3FB1]  }
0x2f: {  	lr =	sadd.s32 s0, s3;
	s0 =	sld [smem:$0x3FA8]  }
0x30: {  	s3 =	sld [smem:$0x3FAB]  }
0x31: {  	[smem:$0x3FB4] =	sst s10  }
0x32: {  	s10 =	sld [smem:$0x3FB2];
	_ =	sdelay $0x3  }
0x33: {  	p0 =	seq.s32 s10, $0x1;
	s10 =	sld [smem:$0x3FB4];
	_ =	sdelay $0x3  }
0x34: {  	[smem:$0x3FB4] =	sst s10  }
0x35: {  	s10 =	sld [smem:$0x3FB3];
	_ =	sdelay $0x3  }
0x36: {  	p1 =	seq.s32 s10, $0x1;
	s10 =	sld [smem:$0x3FB4];
	_ =	sdelay $0x3  }
0x37: {  	[smem:$0x3FB4] =	sst s10  }
0x38: {  	s10 =	sld [smem:$0x3FB5]  }
0x39: {  	_ = 	snop;
	(pc) =	sbr.ind lr, $3  }
0x3a: {  	_ = 	snop  }
0x3b: {  	_ = 	snop  }
0x3c: {  	p2 =	seq.s32 s10, $0x1;
	s10 =	sld [smem:$0x3FB4]  }
0x3d: {  	_ =	shalt  }
0x3e: {  	_ =	shalt  }
0x3f: {  	_ =	shalt  }
0x40: {  	_ =	shalt  }
0x41: {  	_ =	shalt  }
0x42: {  	_ =	shalt  }
0x43: {  	_ =	shalt  }
0x44: {  	_ =	shalt  }
0x45: {  	_ =	shalt  }
0x46: {  	_ =	shalt  }
0x47: {  	_ =	shalt  }
0x48: {  	_ =	shalt  }
0x49: {  	_ =	shalt  }
0x4a: {  	_ =	shalt  }
0x4b: {  	_ =	shalt  }
0x4c: {  	_ =	shalt  }
0x4d: {  	_ =	shalt  }
0x4e: {  	_ =	shalt  }
0x4f: {  	_ =	shalt  }
0x50: {  	_ =	shalt  }
0x51: {  	_ =	shalt  }
0x52: {  	_ =	shalt  }
0x53: {  	_ =	shalt  }
0x54: {  	_ =	shalt  }
0x55: {  	_ =	shalt  }
0x56: {  	_ =	shalt  }
0x57: {  	_ =	shalt  }
0x58: {  	_ =	shalt  }
0x59: {  	_ =	shalt  }
0x5a: {  	_ =	shalt  }
0x5b: {  	_ =	shalt  }
0x5c: {  	_ =	shalt  }
0x5d: {  	_ =	shalt  }
0x5e: {  	_ =	shalt  }
0x5f: {  	_ =	shalt  }
0x60: {  	_ =	shalt  }
0x61: {  	_ =	shalt  }
0x62: {  	_ =	shalt  }
0x63: {  	_ =	shalt  }
0x64: {  	_ =	shalt  }
0x65: {  	_ =	shalt  }
0x66: {  	_ =	shalt  }
0x67: {  	_ =	shalt  }
0x68: {  	_ =	shalt  }
0x69: {  	_ =	shalt  }
0x6a: {  	_ =	shalt  }
0x6b: {  	_ =	shalt  }
0x6c: {  	_ =	shalt  }
0x6d: {  	_ =	shalt  }
0x6e: {  	_ =	shalt  }
0x6f: {  	_ =	shalt  }
0x70: {  	_ =	shalt  }
0x71: {  	_ =	shalt  }
0x72: {  	_ =	shalt  }
0x73: {  	_ =	shalt  }
0x74: {  	_ =	shalt  }
0x75: {  	_ =	shalt  }
0x76: {  	_ =	shalt  }
0x77: {  	_ =	shalt  }
0x78: {  	_ =	shalt  }
0x79: {  	_ =	shalt  }
0x7a: {  	_ =	shalt  }
0x7b: {  	_ =	shalt  }
0x7c: {  	_ =	shalt  }
0x7d: {  	_ =	shalt  }
0x7e: {  	_ =	shalt  }
0x7f: {  	_ =	shalt  }
0x80: {  	_ =	shalt  }
0x81: {  	_ =	shalt  }
0x82: {  	_ =	shalt  }
0x83: {  	_ =	shalt  }
0x84: {  	_ =	shalt  }
0x85: {  	_ =	shalt  }
0x86: {  	_ =	shalt  }
0x87: {  	_ =	shalt  }
.Lfunc_end0:
.L_simem_size_0:
called_computation_lowered:
.L_overlay_start_0:
0x88: {  	s2 =	sld [smem:$0x3FD9]  }
0x89: {  	s3 =	sld [smem:$0x3FFE];
	_ =	sdelay $0x1  }
0x8a: {  	s1 =	srdreg.scid  }
0x8b: {  	s0 =	sand.u32 $0x1, s1  }
0x8c: {  	s17 =	sshll.u32 s0, $0xA;
	s2 =	sadd.s32 s3, s2  }
0x8d: {  	s2 =	sadd.s32 s2, s17  }
0x8e: {  	[smem:$0x3FC0] =	sst s2  }
0x8f: {  	_ = 	snop  }
0x90: {  	s2 =	sld [smem:$0x3FD0];
	(tm) =	ssettm $0x1  }
0x91: {  	s18 =	sld [smem:$0x3FFB];
	_ =	sdelay $0x3  }
0x92: {  	_ =	strace s18  }
0x93: {  	s3 =	sld [smem:$0x3FFC];
	_ =	sdelay $0x3  }
0x94: {  	_ =	strace s3  }
0x95: {  	s3 =	sld [smem:$0x3FFD];
	_ =	sdelay $0x3  }
0x96: {  	_ =	strace s3  }
0x97: {  	_ =	strace $0x8FFFFFFF  }
0x98: {  	s19 =	sld [smem:$0x3FDB];
	_ =	sdelay $0x1  }
0x99: {  	s4 =	simm.s32 $_scs_section_size  }
0x9a: {  	s5 =	simm.s32 $_size__tile_overlayer_lowered;
	s6 =	simm.s32 $_tile_overlayer_lowered  }
0x9b: {  	s22 =	simm.s32 $0x1BFF;
	s21 =	sshll.u32 s6, $0x1;
	s3 =	sadd.s32 s4, s19  }
0x9c: {  	s7 =	simm.s32 $0x0;
	s20 =	sshll.u32 s5, $0x1;
	s5 =	sadd.s32 s21, s3  }
0x9d: {  	[timem:s7], [sflag:s22] =	dma.local [hbm:s5], s20  }
0x9e: {  	_ =	swait.ge [sflag:s22], s20  }
0x9f: {  	s4 =	ssub.s32 $0x0, s20;
	[sflag:s22] =	ssyncset.done $0x0  }
0xa0: {  	[sflag:s22] =	ssyncadd.s32 s4;
	_ =	sdelay $0x1  }
0xa1: {  	s23 =	simm.s32 $0x1B8B  }
0xa2: {  	_ =	swait.ge [sflag:s23], $0x1  }
0xa3: {  	[sflag:s23] =	ssyncset.done $0x0  }
0xa4: {  	s25 =	simm.s32 $0x1B8E;
	s24 =	sld [smem:$0x3FFE];
	[sflag:s23] =	ssyncadd.s32 $0xFFFFFFFF  }
0xa5: {  	s26 =	simm.s32 $execute0_lowered;
	[smem:$0x3FD2] =	sst s25  }
0xa6: {  	s5 =	sshll.u32 s26, $0x1;
	_ =	strace $0x80000046;
	[dreg:$0x1] =	wrdreg $0xFFFFFFFF  }
0xa7: {  	s28 =	simm.s32 $_size_execute0_lowered;
	s3 =	sadd.s32 s3, s5;
	[dreg:$0x0] =	wrdreg $0x0  }
0xa8: {  	s5 =	sshll.u32 s28, $0x1;
	[dreg:$0x2] =	wrdreg s3  }
0xa9: {  	[dreg:$0x3] =	wrdreg s5  }
0xaa: {  	[dreg:$0x4] =	wrdreg $0xC0  }
0xab: {  	_ =	task [dreg:s7], $0x5FFFF  }
0xac: {  	[dreg:$0x1] =	wrdreg $0xFFFFFFFF  }
0xad: {  	[dreg:$0x0] =	wrdreg $0x60  }
0xae: {  	[dreg:$0x2] =	wrdreg s24  }
0xaf: {  	[dreg:$0x3] =	wrdreg s2  }
0xb0: {  	[dreg:$0x4] =	wrdreg $0x90000  }
0xb1: {  	[dreg:$0x5] =	wrdreg $0x12C800  }
0xb2: {  	[dreg:$0x6] =	wrdreg $0x153A00  }
0xb3: {  	[dreg:$0x7] =	wrdreg $0x9  }
0xb4: {  	_ =	task.clear_ibuf [dreg:s7], $0x8FFFF;
	_ =	strace $0x90000046  }
0xb5: {  	s29 =	simm.s32 $0x9;
	_ =	strace $0x80000048  }
0xb6: {  	_ =	swait.ge [sflag:s29], $0x1  }
0xb7: {  	[sflag:s29] =	ssyncadd.s32 $0xFFFFFFFF  }
0xb8: {  	_ =	strace $0x90000048  }
0xb9: {  	_ =	sfence  }
0xba: {  	s30 =	sld [smem:$0x0];
	_ =	sdelay $0x2  }
0xbb: {  	s31 =	sshll.u32 s1, $0xD;
	s1 =	sshrl.u32 s1, $0x2  }
0xbc: {  	s3 =	sand.u32 $0x4000, s31;
	s1 =	sadd.s32 s1, s30  }
0xbd: {  	s0 =	sor.u32 s3, s0;
	s1 =	sshll.u32 s1, $0x11  }
0xbe: {  	s0 =	sor.u32 s1, s0  }
0xbf: {  	s0 =	sadd.s32 $0x8F2B, s0  }
0xc0: {  	[sflag:s0] =	ssyncadd.remote.s32 $0x1  }
0xc1: {  	_ =	sfence.sel $0xFFFF  }
0xc2: {  	[dreg:$0x0] =	wrdreg $0xFFFFFFFF;
	(pc) =	sbr.abs _section_cstart, $3  }
0xc3: {  	[dreg:$0x1] =	wrdreg $0xFFFFFFFF  }
0xc4: {  	_ =	task.clear_ibuf [dreg:s7], $0x2FFFF;
	_ =	strace $0x9FFFFFFF  }
0xc5: {  	(tm) =	ssettm $0x7FFFFFFF  }
tec
execute0_lowered:
.L_overlay_start_1:
0x0: {  	(tag) =	ssettag $0x1  }
0x1: {  	s0 =	rddreg [dreg:$0x0]  }
0x2: {  	s2 =	rddreg [dreg:$0x1]  }
0x3: {  	s1 =	rddreg [dreg:$0x2]  }
0x4: {  	s3 =	rddreg [dreg:$0x3]  }
0x5: {  	s4 =	rddreg [dreg:$0x4]  }
0x6: {  	s5 =	simm.s32 $0x0;
	s17 =	stileid.u32;
	s8 =	srdreg.scid  }
0x7: {  	s28 =	simm.s32 $0x6800;
	s29 =	simm.s32 $0x1;
	s6 =	smul.u32 $0xA00, s17  }
0x8: {  	s30 =	simm.s32 $0x200;
	s31 =	simm.s32 $0x2;
	s7 =	smul.u32 $0x9C80, s17  }
0x9: {  	[smem:$0x7FF] =	sst s5;
	s9 =	sadd.s32 $0x15400, s0;
	s10 =	smul.u32 $0x2720, s17  }
0xa: {  	s8 =	sand.u32 $0x1, s8;
	s11 =	sadd.s32 $0x1A00, s0;
	s16 =	sadd.s32 $0x55800, s0  }
0xb: {  	s21 =	sshll.u32 s17, $0x6;
	s24 =	smul.u32 $0x9C40, s17;
	s17 =	simm.s32 $0x500  }
0xc: {  	_ =	strace $0x80000047;
	s13 =	smul.u32 $0x9C800, s8;
	s15 =	ssub.s32 $0x2, s8  }
0xd: {  	[dreg:$0xe] =	wrdreg s16;
	s22 =	smul.u32 $0x27200, s8;
	p0 =	seq.s32 s8, $0x0  }
0xe: {  	s16 =	simm.s32 $0x480;
	s12 =	sshrl.u32 s7, $0x3;
	s6 =	sadd.s32 s6, s0  }
0xf: {  	s14 =	sshrl.u32 s10, $0x3;
	s19 =	sshrl.u32 s15, $0x1;
	s23 =	sadd.s32 s10, s3  }
0x10: {  	s26 =	sadd.s32 s24, s4;
	s11 =	smov.u32 @p0 s9;
	s9 =	simm.s32 $0x380  }
0x11: {  	s12 =	sadd.s32 s12, s0;
	s14 =	sadd.s32 s14, s0;
	s13 =	sadd.s32 s7, s13  }
0x12: {  	s20 =	ssub.s32 s15, s19;
	s7 =	sadd.s32 s7, s1;
	s19 =	sor.u32 $0x1C05, s21  }
0x13: {  	[dreg:$0x11] =	wrdreg s23;
	s25 =	sadd.s32 s10, s22;
	s15 =	simm.s32 $0x400  }
0x14: {  	s22 =	sadd.s32 $0x28E00, s6;
	s23 =	sadd.s32 $0x32E00, s6;
	s6 =	simm.s32 $0x300  }
0x15: {  	s10 =	simm.s32 $0x600;
	s13 =	sshrl.u32 s13, $0x3;
	[dreg:$0xa] =	wrdreg s22  }
0x16: {  	s12 =	sadd.s32 $0x3CE00, s12;
	s14 =	sadd.s32 $0x50800, s14;
	[dreg:$0xb] =	wrdreg s23  }
0x17: {  	s8 =	sshrl.u32 s25, $0x3;
	s20 =	smax.u32 s20, $0x1;
	[dreg:$0x10] =	wrdreg s19  }
0x18: {  	s25 =	simm.s32 $0x100;
	s23 =	simm.s32 $0x80;
	[dreg:$0xf] =	wrdreg s12  }
0x19: {  	s22 =	simm.s32 $0x0;
	s0 =	sadd.s32 s13, s0;
	[dreg:$0x12] =	wrdreg s14  }
0x1a: {  	s12 =	sshrl.u32 s24, $0x3;
	s18 =	sadd.s32 s2, s8;
	[dreg:$0x15] =	wrdreg s20  }
0x1b: {  	s2 =	simm.s32 $0x480;
	s14 =	sshrl.u32 s7, $0x3;
	s20 =	simm.s32 $0x5  }
0x1c: {  	s24 =	sshrl.u32 s26, $0x3;
	[dreg:$0xc] =	wrdreg s25;
	s26 =	simm.s32 $0x180  }
0x1d: {  	s25 =	simm.s32 $0x2800;
	s7 =	simm.s32 $0x4;
	[dreg:$0x14] =	wrdreg s18  }
0x1e: {  	s13 =	simm.s32 $0x780;
	s0 =	sadd.s32 $0x55A00, s0;
	[dreg:$0x18] =	wrdreg s24  }
0x1f: {  	s21 =	sadd.s32 s11, s12;
	s2 =	simm.s32 @!p0 $0x680;
	[dreg:$0xd] =	wrdreg s26  }
0x20: {  	s18 =	simm.s32 $0x580;
	s24 =	simm.s32 $0x800;
	[dreg:$0x17] =	wrdreg s14  }
0x21: {  	s26 =	simm.s32 $0x4800;
	s11 =	simm.s32 $0x680;
	[dreg:$0x13] =	wrdreg s0  }
0x22: {  	s12 =	simm.s32 $0x700;
	[dreg:$0x16] =	wrdreg s21;
	s0 =	simm.s32 $0x400  }
0x23: {  	[dreg:$0x7] =	wrdreg s2;
	s2 =	simm.s32 $0x580;
	s0 =	simm.s32 @!p0 $0x600  }
0x24: {  	s2 =	simm.s32 @!p0 $0x780;
	[dreg:$0x6] =	wrdreg s0;
	s0 =	simm.s32 $0x500  }
0x25: {  	s21 =	simm.s32 $0x8800;
	[dreg:$0x9] =	wrdreg s2;
	s0 =	simm.s32 @!p0 $0x700  }
0x26: {  	s2 =	simm.s32 $0x3;
	[dreg:$0x8] =	wrdreg s0;
	s0 =	simm.s32 $0x280  }
.LBB2_1:
0x27: {  	[dreg:$0x19] =	wrdreg s22  }
0x28: {  	s8 =	rddreg [dreg:$0xf]  }
0x29: {  	[spmem:s14], [sflag:s19] =	dma.local [hbm:s8], $0x1390  }
0x2a: {  	_ =	swait.ge [sflag:s20], $0x1390  }
0x2b: {  	s22 =	rddreg [dreg:$0x11]  }
0x2c: {  	[sflag:s20] =	ssyncset.done $0x0;
	s8 =	sshrl.u32 s22, $0x3;
	s22 =	rddreg [dreg:$0x12]  }
0x2d: {  	[sflag:s20] =	ssyncadd.s32 $0xFFFFEC70;
	[dreg:$0x1a] =	wrdreg s8  }
0x2e: {  	[spmem:s8], [sflag:s19] =	dma.local [hbm:s22], $0x4E4  }
0x2f: {  	_ =	swait.ge [sflag:s20], $0x4E4  }
0x30: {  	[sflag:s20] =	ssyncset.done $0x0  }
0x31: {  	s22 =	rddreg [dreg:$0xe];
	[sflag:s20] =	ssyncadd.s32 $0xFFFFFB1C  }
0x32: {  	[tilespmem:s21], [sflag:$0x5] =	stream.linear.gather [hbm4b:s22+s5], $0x800, $0x38;
	[tilespmem:$0x1EFE0] =	vst v63  }
0x33: {  	_ =	swait.ge [sflag:s20], $0x800  }
0x34: {  	[sflag:s20] =	ssyncset.done $0x0;
	s14 =	rddreg [dreg:$0x16]  }
0x35: {  	s22 =	rddreg [dreg:$0x18];
	[sflag:s20] =	ssyncadd.s32 $0xFFFFF800  }
0x36: {  	[spmem:s22], [sflag:s19] =	dma.local [hbm:s14], $0x1388  }
0x37: {  	_ =	swait.ge [sflag:s20], $0x1388  }
0x38: {  	[sflag:s20] =	ssyncset.done $0x0  }
0x39: {  	[sflag:s20] =	ssyncadd.s32 $0xFFFFEC78  }
0x3a: {  	[bflag:$0x0] =	sbarrier.arrive $0xFFFF  }
0x3b: {  	s14 =	rddreg [dreg:$0xb]  }
0x3c: {  	s8 =	sadd.s32 $0x0, s14  }
0x3d: {  	[tilespmem:s5], [sflag:$0x5] =	stream.linear.gather [hbm4b:s8+s5], $0x400, $0x38;
	[tilespmem:$0x1EFE0] =	vst v63  }
0x3e: {  	_ =	swait.ge [sflag:s20], $0x400  }
0x3f: {  	s19 =	rddreg [dreg:$0xa];
	[sflag:s20] =	ssyncset.done $0x0  }
0x40: {  	[sflag:s20] =	ssyncadd.s32 $0xFFFFFC00;
	s8 =	sadd.s32 $0x0, s19  }
0x41: {  	[tilespmem:s15], [sflag:$0x5] =	stream.linear.gather [hbm4b:s8+s5], $0x400, $0x38;
	[tilespmem:$0x1EFE0] =	vst v63  }
0x42: {  	_ =	swait.ge [sflag:s20], $0x400  }
0x43: {  	[sflag:s20] =	ssyncset.done $0x0  }
0x44: {  	[sflag:s20] =	ssyncadd.s32 $0xFFFFFC00  }
0x45: {  	[tilespmem:s24], [sflag:$0x1] =	stream.indirect.gather [spmem:s4], $0x40, s5, s23, $0xb8;
	[tilespmem:$0x1EFE0] =	vst v63  }
0x46: {  	_ = 	snop  }
0x47: {  	[tilespmem:s25], [sflag:$0x2] =	stream.indirect.gather [spmem:s4], $0x40, s23, s23, $0xb8;
	[tilespmem:$0x1EFE0] =	vst v63  }
0x48: {  	s22 =	rddreg [dreg:$0xc]  }
0x49: {  	[tilespmem:s26], [sflag:$0x3] =	stream.indirect.gather [spmem:s4], $0x40, s22, s23, $0xb8;
	[tilespmem:$0x1EFE0] =	vst v63  }
0x4a: {  	s14 =	rddreg [dreg:$0xd]  }
0x4b: {  	[tilespmem:s28], [sflag:$0x4] =	stream.indirect.gather [spmem:s4], $0x40, s14, s23, $0xb8;
	[tilespmem:$0x1EFE0] =	vst v63  }
0x4c: {  	s22 =	rddreg [dreg:$0x6]  }
0x4d: {  	[spmem:s3] =	stream.indirect.scatter.add.f32 [tilespmem:s21], [sflag:$0x5], $0x10, s22, s23, $0xb8;
	[tilespmem:$0x1EFE0] =	vst v63  }
0x4e: {  	_ =	swait.ge [sflag:s20], $0x800  }
0x4f: {  	[sflag:s20] =	ssyncset.done $0x0  }
0x50: {  	s14 =	rddreg [dreg:$0x7];
	[sflag:s20] =	ssyncadd.s32 $0xFFFFF800  }
0x51: {  	[spmem:s3] =	stream.indirect.scatter.add.f32 [tilespmem:s21], [sflag:$0x5], $0x10, s14, s23, $0xb8;
	[tilespmem:$0x1EFE0] =	vst v63  }
0x52: {  	_ =	swait.ge [sflag:s20], $0x800  }
0x53: {  	[sflag:s20] =	ssyncset.done $0x0  }
0x54: {  	s19 =	rddreg [dreg:$0x8];
	[sflag:s20] =	ssyncadd.s32 $0xFFFFF800  }
0x55: {  	[spmem:s3] =	stream.indirect.scatter.add.f32 [tilespmem:s21], [sflag:$0x5], $0x10, s19, s23, $0xb8;
	[tilespmem:$0x1EFE0] =	vst v63  }
0x56: {  	_ =	swait.ge [sflag:s20], $0x800  }
0x57: {  	[sflag:s20] =	ssyncset.done $0x0  }
0x58: {  	s22 =	rddreg [dreg:$0x9];
	[sflag:s20] =	ssyncadd.s32 $0xFFFFF800  }
0x59: {  	[spmem:s3] =	stream.indirect.scatter.add.f32 [tilespmem:s21], [sflag:$0x5], $0x10, s22, s23, $0xb8;
	[tilespmem:$0x1EFE0] =	vst v63  }
0x5a: {  	_ =	swait.ge [sflag:s20], $0x800  }
0x5b: {  	[sflag:s20] =	ssyncset.done $0x0  }
0x5c: {  	[sflag:s20] =	ssyncadd.s32 $0xFFFFF800  }
0x5d: {  	_ =	swait.ge [sflag:s29], $0x2000  }
0x5e: {  	[sflag:s29] =	ssyncset.done $0x0  }
0x5f: {  	[sflag:s29] =	ssyncadd.s32 $0xFFFFE000  }
0x60: {  	[spmem:s1] =	stream.indirect.scatter.add.f32 [tilespmem:s24], [sflag:$0x5], $0x40, s15, s23, $0xb8;
	[tilespmem:$0x1EFE0] =	vst v63  }
0x61: {  	_ =	swait.ge [sflag:s20], $0x2000  }
0x62: {  	[sflag:s20] =	ssyncset.done $0x0  }
0x63: {  	[sflag:s20] =	ssyncadd.s32 $0xFFFFE000  }
0x64: {  	[tilespmem:s24], [sflag:$0x1] =	stream.indirect.gather [spmem:s4], $0x40, s30, s23, $0xb8;
	[tilespmem:$0x1EFE0] =	vst v63  }
0x65: {  	_ =	swait.ge [sflag:s31], $0x2000  }
0x66: {  	[sflag:s31] =	ssyncset.done $0x0  }
0x67: {  	[sflag:s31] =	ssyncadd.s32 $0xFFFFE000  }
0x68: {  	[spmem:s1] =	stream.indirect.scatter.add.f32 [tilespmem:s25], [sflag:$0x5], $0x40, s16, s23, $0xb8;
	[tilespmem:$0x1EFE0] =	vst v63  }
0x69: {  	_ =	swait.ge [sflag:s20], $0x2000  }
0x6a: {  	[sflag:s20] =	ssyncset.done $0x0  }
0x6b: {  	[sflag:s20] =	ssyncadd.s32 $0xFFFFE000  }
0x6c: {  	[tilespmem:s25], [sflag:$0x2] =	stream.indirect.gather [spmem:s4], $0x40, s0, s23, $0xb8;
	[tilespmem:$0x1EFE0] =	vst v63  }
0x6d: {  	_ =	swait.ge [sflag:s2], $0x2000  }
0x6e: {  	[sflag:s2] =	ssyncset.done $0x0  }
0x6f: {  	[sflag:s2] =	ssyncadd.s32 $0xFFFFE000  }
0x70: {  	[spmem:s1] =	stream.indirect.scatter.add.f32 [tilespmem:s26], [sflag:$0x5], $0x40, s17, s23, $0xb8;
	[tilespmem:$0x1EFE0] =	vst v63  }
0x71: {  	_ =	swait.ge [sflag:s20], $0x2000  }
0x72: {  	[sflag:s20] =	ssyncset.done $0x0  }
0x73: {  	[sflag:s20] =	ssyncadd.s32 $0xFFFFE000  }
0x74: {  	[tilespmem:s26], [sflag:$0x3] =	stream.indirect.gather [spmem:s4], $0x40, s6, s23, $0xb8;
	[tilespmem:$0x1EFE0] =	vst v63  }
0x75: {  	_ =	swait.ge [sflag:s7], $0x2000  }
0x76: {  	[sflag:s7] =	ssyncset.done $0x0  }
0x77: {  	[sflag:s7] =	ssyncadd.s32 $0xFFFFE000  }
0x78: {  	[spmem:s1] =	stream.indirect.scatter.add.f32 [tilespmem:s28], [sflag:$0x5], $0x40, s18, s23, $0xb8;
	[tilespmem:$0x1EFE0] =	vst v63  }
0x79: {  	_ =	swait.ge [sflag:s20], $0x2000  }
0x7a: {  	[sflag:s20] =	ssyncset.done $0x0  }
0x7b: {  	[sflag:s20] =	ssyncadd.s32 $0xFFFFE000  }
0x7c: {  	[tilespmem:s28], [sflag:$0x4] =	stream.indirect.gather [spmem:s4], $0x40, s9, s23, $0xb8;
	[tilespmem:$0x1EFE0] =	vst v63  }
0x7d: {  	_ =	swait.ge [sflag:s29], $0x2000  }
0x7e: {  	[sflag:s29] =	ssyncset.done $0x0  }
0x7f: {  	[sflag:s29] =	ssyncadd.s32 $0xFFFFE000  }
0x80: {  	[spmem:s1] =	stream.indirect.scatter.add.f32 [tilespmem:s24], [sflag:$0x5], $0x40, s10, s23, $0xb8;
	[tilespmem:$0x1EFE0] =	vst v63  }
0x81: {  	_ =	swait.ge [sflag:s20], $0x2000  }
0x82: {  	[sflag:s20] =	ssyncset.done $0x0  }
0x83: {  	[sflag:s20] =	ssyncadd.s32 $0xFFFFE000  }
0x84: {  	_ =	swait.ge [sflag:s31], $0x2000  }
0x85: {  	[sflag:s31] =	ssyncset.done $0x0  }
0x86: {  	[sflag:s31] =	ssyncadd.s32 $0xFFFFE000  }
0x87: {  	[spmem:s1] =	stream.indirect.scatter.add.f32 [tilespmem:s25], [sflag:$0x5], $0x40, s11, s23, $0xb8;
	[tilespmem:$0x1EFE0] =	vst v63  }
0x88: {  	_ =	swait.ge [sflag:s20], $0x2000  }
0x89: {  	[sflag:s20] =	ssyncset.done $0x0  }
0x8a: {  	[sflag:s20] =	ssyncadd.s32 $0xFFFFE000  }
0x8b: {  	_ =	swait.ge [sflag:s2], $0x2000  }
0x8c: {  	[sflag:s2] =	ssyncset.done $0x0  }
0x8d: {  	[sflag:s2] =	ssyncadd.s32 $0xFFFFE000  }
0x8e: {  	[spmem:s1] =	stream.indirect.scatter.add.f32 [tilespmem:s26], [sflag:$0x5], $0x40, s12, s23, $0xb8;
	[tilespmem:$0x1EFE0] =	vst v63  }
0x8f: {  	_ =	swait.ge [sflag:s20], $0x2000  }
0x90: {  	[sflag:s20] =	ssyncset.done $0x0  }
0x91: {  	[sflag:s20] =	ssyncadd.s32 $0xFFFFE000  }
0x92: {  	_ =	swait.ge [sflag:s7], $0x2000  }
0x93: {  	[sflag:s7] =	ssyncset.done $0x0  }
0x94: {  	[sflag:s7] =	ssyncadd.s32 $0xFFFFE000  }
0x95: {  	[spmem:s1] =	stream.indirect.scatter.add.f32 [tilespmem:s28], [sflag:$0x5], $0x40, s13, s23, $0xb8;
	[tilespmem:$0x1EFE0] =	vst v63  }
0x96: {  	s19 =	simm.s32 $0x80;
	_ =	swait.ge [sflag:s20], $0x2000  }
0x97: {  	s22 =	simm.s32 $0x100;
	s8 =	rddreg [dreg:$0xb];
	[sflag:s20] =	ssyncset.done $0x0  }
.LBB2_2:
0x98: {  	[sflag:s20] =	ssyncadd.s32 $0xFFFFE000;
	s8 =	sadd.s32 s19, s8  }
0x99: {  	[tilespmem:s5], [sflag:$0x5] =	stream.linear.gather [hbm4b:s8+s5], $0x400, $0x38;
	[tilespmem:$0x1EFE0] =	vst v63  }
0x9a: {  	_ =	swait.ge [sflag:s20], $0x400  }
0x9b: {  	s8 =	rddreg [dreg:$0xa];
	[sflag:s20] =	ssyncset.done $0x0  }
0x9c: {  	[sflag:s20] =	ssyncadd.s32 $0xFFFFFC00;
	s8 =	sadd.s32 s19, s8  }
0x9d: {  	[tilespmem:s15], [sflag:$0x5] =	stream.linear.gather [hbm4b:s8+s5], $0x400, $0x38;
	[tilespmem:$0x1EFE0] =	vst v63  }
0x9e: {  	_ =	swait.ge [sflag:s20], $0x400  }
0x9f: {  	[sflag:s20] =	ssyncset.done $0x0  }
0xa0: {  	[sflag:s20] =	ssyncadd.s32 $0xFFFFFC00  }
0xa1: {  	[tilespmem:s24], [sflag:$0x1] =	stream.indirect.gather [spmem:s4], $0x40, s5, s23, $0xb8;
	[tilespmem:$0x1EFE0] =	vst v63  }
0xa2: {  	_ = 	snop  }
0xa3: {  	[tilespmem:s25], [sflag:$0x2] =	stream.indirect.gather [spmem:s4], $0x40, s23, s23, $0xb8;
	[tilespmem:$0x1EFE0] =	vst v63  }
0xa4: {  	s14 =	smov.u32 s22;
	s8 =	rddreg [dreg:$0xc]  }
0xa5: {  	[tilespmem:s26], [sflag:$0x3] =	stream.indirect.gather [spmem:s4], $0x40, s8, s23, $0xb8;
	[tilespmem:$0x1EFE0] =	vst v63  }
0xa6: {  	s19 =	smov.u32 s14;
	s14 =	rddreg [dreg:$0xd]  }
0xa7: {  	[tilespmem:s28], [sflag:$0x4] =	stream.indirect.gather [spmem:s4], $0x40, s14, s23, $0xb8;
	[tilespmem:$0x1EFE0] =	vst v63  }
0xa8: {  	s8 =	rddreg [dreg:$0x6]  }
0xa9: {  	[spmem:s3] =	stream.indirect.scatter.add.f32 [tilespmem:s21], [sflag:$0x5], $0x10, s8, s23, $0xb8;
	[tilespmem:$0x1EFE0] =	vst v63  }
0xaa: {  	_ =	swait.ge [sflag:s20], $0x800  }
0xab: {  	[sflag:s20] =	ssyncset.done $0x0  }
0xac: {  	s14 =	rddreg [dreg:$0x7];
	[sflag:s20] =	ssyncadd.s32 $0xFFFFF800  }
0xad: {  	[spmem:s3] =	stream.indirect.scatter.add.f32 [tilespmem:s21], [sflag:$0x5], $0x10, s14, s23, $0xb8;
	[tilespmem:$0x1EFE0] =	vst v63  }
0xae: {  	_ =	swait.ge [sflag:s20], $0x800  }
0xaf: {  	[sflag:s20] =	ssyncset.done $0x0  }
0xb0: {  	s14 =	rddreg [dreg:$0x8];
	[sflag:s20] =	ssyncadd.s32 $0xFFFFF800  }
0xb1: {  	[spmem:s3] =	stream.indirect.scatter.add.f32 [tilespmem:s21], [sflag:$0x5], $0x10, s14, s23, $0xb8;
	[tilespmem:$0x1EFE0] =	vst v63  }
0xb2: {  	_ =	swait.ge [sflag:s20], $0x800  }
0xb3: {  	[sflag:s20] =	ssyncset.done $0x0  }
0xb4: {  	s14 =	rddreg [dreg:$0x9];
	[sflag:s20] =	ssyncadd.s32 $0xFFFFF800  }
0xb5: {  	[spmem:s3] =	stream.indirect.scatter.add.f32 [tilespmem:s21], [sflag:$0x5], $0x10, s14, s23, $0xb8;
	[tilespmem:$0x1EFE0] =	vst v63  }
0xb6: {  	_ =	swait.ge [sflag:s20], $0x800  }
0xb7: {  	[sflag:s20] =	ssyncset.done $0x0  }
0xb8: {  	[sflag:s20] =	ssyncadd.s32 $0xFFFFF800  }
0xb9: {  	_ =	swait.ge [sflag:s29], $0x2000  }
0xba: {  	[sflag:s29] =	ssyncset.done $0x0  }
0xbb: {  	[sflag:s29] =	ssyncadd.s32 $0xFFFFE000  }
0xbc: {  	[spmem:s1] =	stream.indirect.scatter.add.f32 [tilespmem:s24], [sflag:$0x5], $0x40, s15, s23, $0xb8;
	[tilespmem:$0x1EFE0] =	vst v63  }
0xbd: {  	_ =	swait.ge [sflag:s20], $0x2000  }
0xbe: {  	[sflag:s20] =	ssyncset.done $0x0  }
0xbf: {  	[sflag:s20] =	ssyncadd.s32 $0xFFFFE000  }
0xc0: {  	[tilespmem:s24], [sflag:$0x1] =	stream.indirect.gather [spmem:s4], $0x40, s30, s23, $0xb8;
	[tilespmem:$0x1EFE0] =	vst v63  }
0xc1: {  	_ =	swait.ge [sflag:s31], $0x2000  }
0xc2: {  	[sflag:s31] =	ssyncset.done $0x0  }
0xc3: {  	[sflag:s31] =	ssyncadd.s32 $0xFFFFE000  }
0xc4: {  	[spmem:s1] =	stream.indirect.scatter.add.f32 [tilespmem:s25], [sflag:$0x5], $0x40, s16, s23, $0xb8;
	[tilespmem:$0x1EFE0] =	vst v63  }
0xc5: {  	_ =	swait.ge [sflag:s20], $0x2000  }
0xc6: {  	[sflag:s20] =	ssyncset.done $0x0  }
0xc7: {  	[sflag:s20] =	ssyncadd.s32 $0xFFFFE000  }
0xc8: {  	[tilespmem:s25], [sflag:$0x2] =	stream.indirect.gather [spmem:s4], $0x40, s0, s23, $0xb8;
	[tilespmem:$0x1EFE0] =	vst v63  }
0xc9: {  	_ =	swait.ge [sflag:s2], $0x2000  }
0xca: {  	[sflag:s2] =	ssyncset.done $0x0  }
0xcb: {  	[sflag:s2] =	ssyncadd.s32 $0xFFFFE000  }
0xcc: {  	[spmem:s1] =	stream.indirect.scatter.add.f32 [tilespmem:s26], [sflag:$0x5], $0x40, s17, s23, $0xb8;
	[tilespmem:$0x1EFE0] =	vst v63  }
0xcd: {  	_ =	swait.ge [sflag:s20], $0x2000  }
0xce: {  	[sflag:s20] =	ssyncset.done $0x0  }
0xcf: {  	[sflag:s20] =	ssyncadd.s32 $0xFFFFE000  }
0xd0: {  	[tilespmem:s26], [sflag:$0x3] =	stream.indirect.gather [spmem:s4], $0x40, s6, s23, $0xb8;
	[tilespmem:$0x1EFE0] =	vst v63  }
0xd1: {  	_ =	swait.ge [sflag:s7], $0x2000  }
0xd2: {  	[sflag:s7] =	ssyncset.done $0x0  }
0xd3: {  	[sflag:s7] =	ssyncadd.s32 $0xFFFFE000  }
0xd4: {  	[spmem:s1] =	stream.indirect.scatter.add.f32 [tilespmem:s28], [sflag:$0x5], $0x40, s18, s23, $0xb8;
	[tilespmem:$0x1EFE0] =	vst v63  }
0xd5: {  	_ =	swait.ge [sflag:s20], $0x2000  }
0xd6: {  	[sflag:s20] =	ssyncset.done $0x0  }
0xd7: {  	[sflag:s20] =	ssyncadd.s32 $0xFFFFE000  }
0xd8: {  	[tilespmem:s28], [sflag:$0x4] =	stream.indirect.gather [spmem:s4], $0x40, s9, s23, $0xb8;
	[tilespmem:$0x1EFE0] =	vst v63  }
0xd9: {  	_ =	swait.ge [sflag:s29], $0x2000  }
0xda: {  	[sflag:s29] =	ssyncset.done $0x0  }
0xdb: {  	[sflag:s29] =	ssyncadd.s32 $0xFFFFE000  }
0xdc: {  	[spmem:s1] =	stream.indirect.scatter.add.f32 [tilespmem:s24], [sflag:$0x5], $0x40, s10, s23, $0xb8;
	[tilespmem:$0x1EFE0] =	vst v63  }
0xdd: {  	_ =	swait.ge [sflag:s20], $0x2000  }
0xde: {  	[sflag:s20] =	ssyncset.done $0x0  }
0xdf: {  	[sflag:s20] =	ssyncadd.s32 $0xFFFFE000  }
0xe0: {  	_ =	swait.ge [sflag:s31], $0x2000  }
0xe1: {  	[sflag:s31] =	ssyncset.done $0x0  }
0xe2: {  	[sflag:s31] =	ssyncadd.s32 $0xFFFFE000  }
0xe3: {  	[spmem:s1] =	stream.indirect.scatter.add.f32 [tilespmem:s25], [sflag:$0x5], $0x40, s11, s23, $0xb8;
	[tilespmem:$0x1EFE0] =	vst v63  }
0xe4: {  	_ =	swait.ge [sflag:s20], $0x2000  }
0xe5: {  	[sflag:s20] =	ssyncset.done $0x0  }
0xe6: {  	[sflag:s20] =	ssyncadd.s32 $0xFFFFE000  }
0xe7: {  	_ =	swait.ge [sflag:s2], $0x2000  }
0xe8: {  	[sflag:s2] =	ssyncset.done $0x0  }
0xe9: {  	[sflag:s2] =	ssyncadd.s32 $0xFFFFE000  }
0xea: {  	[spmem:s1] =	stream.indirect.scatter.add.f32 [tilespmem:s26], [sflag:$0x5], $0x40, s12, s23, $0xb8;
	[tilespmem:$0x1EFE0] =	vst v63  }
0xeb: {  	_ =	swait.ge [sflag:s20], $0x2000  }
0xec: {  	[sflag:s20] =	ssyncset.done $0x0  }
0xed: {  	[sflag:s20] =	ssyncadd.s32 $0xFFFFE000  }
0xee: {  	p0 =	sne.s32 s22, $0x980;
	_ =	swait.ge [sflag:s7], $0x2000  }
.Ltmp0:
0xef: {  	[sflag:s7] =	ssyncset.done $0x0;
	(pc) =	sbr.rel @p0 .LBB2_2-.Ltmp0, $4  }
0xf0: {  	[sflag:s7] =	ssyncadd.s32 $0xFFFFE000  }
0xf1: {  	[spmem:s1] =	stream.indirect.scatter.add.f32 [tilespmem:s28], [sflag:$0x5], $0x40, s13, s23, $0xb8;
	[tilespmem:$0x1EFE0] =	vst v63  }
0xf2: {  	_ =	swait.ge [sflag:s20], $0x2000  }
0xf3: {  	s22 =	sadd.s32 $0x80, s22;
	s8 =	rddreg [dreg:$0xb];
	[sflag:s20] =	ssyncset.done $0x0  }
0xf4: {  	[sflag:s20] =	ssyncadd.s32 $0xFFFFE000;
	s8 =	sadd.s32 s19, s8  }
0xf5: {  	[tilespmem:s5], [sflag:$0x5] =	stream.linear.gather [hbm4b:s8+s5], $0x400, $0x38;
	[tilespmem:$0x1EFE0] =	vst v63  }
0xf6: {  	_ =	swait.ge [sflag:s20], $0x400  }
0xf7: {  	s14 =	rddreg [dreg:$0xa];
	[sflag:s20] =	ssyncset.done $0x0  }
0xf8: {  	[sflag:s20] =	ssyncadd.s32 $0xFFFFFC00;
	s8 =	sadd.s32 s19, s14  }
0xf9: {  	[tilespmem:s15], [sflag:$0x5] =	stream.linear.gather [hbm4b:s8+s5], $0x400, $0x38;
	[tilespmem:$0x1EFE0] =	vst v63  }
0xfa: {  	_ =	swait.ge [sflag:s20], $0x400  }
0xfb: {  	[sflag:s20] =	ssyncset.done $0x0  }
0xfc: {  	[sflag:s20] =	ssyncadd.s32 $0xFFFFFC00  }
0xfd: {  	[tilespmem:s24], [sflag:$0x1] =	stream.indirect.gather [spmem:s4], $0x40, s5, s23, $0xb8;
	[tilespmem:$0x1EFE0] =	vst v63  }
0xfe: {  	_ = 	snop  }
0xff: {  	[tilespmem:s25], [sflag:$0x2] =	stream.indirect.gather [spmem:s4], $0x40, s23, s23, $0xb8;
	[tilespmem:$0x1EFE0] =	vst v63  }
0x100: {  	s22 =	rddreg [dreg:$0xc]  }
0x101: {  	[tilespmem:s26], [sflag:$0x3] =	stream.indirect.gather [spmem:s4], $0x40, s22, s23, $0xb8;
	[tilespmem:$0x1EFE0] =	vst v63  }
0x102: {  	s14 =	rddreg [dreg:$0xd]  }
0x103: {  	[tilespmem:s28], [sflag:$0x4] =	stream.indirect.gather [spmem:s4], $0x40, s14, s23, $0xb8;
	[tilespmem:$0x1EFE0] =	vst v63  }
0x104: {  	s19 =	rddreg [dreg:$0x6]  }
0x105: {  	[spmem:s3] =	stream.indirect.scatter.add.f32 [tilespmem:s21], [sflag:$0x5], $0x10, s19, s23, $0xb8;
	[tilespmem:$0x1EFE0] =	vst v63  }
0x106: {  	_ =	swait.ge [sflag:s20], $0x800  }
0x107: {  	[sflag:s20] =	ssyncset.done $0x0  }
0x108: {  	s22 =	rddreg [dreg:$0x7];
	[sflag:s20] =	ssyncadd.s32 $0xFFFFF800  }
0x109: {  	[spmem:s3] =	stream.indirect.scatter.add.f32 [tilespmem:s21], [sflag:$0x5], $0x10, s22, s23, $0xb8;
	[tilespmem:$0x1EFE0] =	vst v63  }
0x10a: {  	_ =	swait.ge [sflag:s20], $0x800  }
0x10b: {  	[sflag:s20] =	ssyncset.done $0x0  }
0x10c: {  	s14 =	rddreg [dreg:$0x8];
	[sflag:s20] =	ssyncadd.s32 $0xFFFFF800  }
0x10d: {  	[spmem:s3] =	stream.indirect.scatter.add.f32 [tilespmem:s21], [sflag:$0x5], $0x10, s14, s23, $0xb8;
	[tilespmem:$0x1EFE0] =	vst v63  }
0x10e: {  	_ =	swait.ge [sflag:s20], $0x800  }
0x10f: {  	[sflag:s20] =	ssyncset.done $0x0  }
0x110: {  	s19 =	rddreg [dreg:$0x9];
	[sflag:s20] =	ssyncadd.s32 $0xFFFFF800  }
0x111: {  	[spmem:s3] =	stream.indirect.scatter.add.f32 [tilespmem:s21], [sflag:$0x5], $0x10, s19, s23, $0xb8;
	[tilespmem:$0x1EFE0] =	vst v63  }
0x112: {  	_ =	swait.ge [sflag:s20], $0x800  }
0x113: {  	[sflag:s20] =	ssyncset.done $0x0  }
0x114: {  	[sflag:s20] =	ssyncadd.s32 $0xFFFFF800  }
0x115: {  	_ =	swait.ge [sflag:s29], $0x2000  }
0x116: {  	[sflag:s29] =	ssyncset.done $0x0  }
0x117: {  	[sflag:s29] =	ssyncadd.s32 $0xFFFFE000  }
0x118: {  	[spmem:s1] =	stream.indirect.scatter.add.f32 [tilespmem:s24], [sflag:$0x5], $0x40, s15, s23, $0xb8;
	[tilespmem:$0x1EFE0] =	vst v63  }
0x119: {  	_ =	swait.ge [sflag:s20], $0x2000  }
0x11a: {  	[sflag:s20] =	ssyncset.done $0x0  }
0x11b: {  	[sflag:s20] =	ssyncadd.s32 $0xFFFFE000  }
0x11c: {  	[tilespmem:s24], [sflag:$0x1] =	stream.indirect.gather [spmem:s4], $0x40, s30, s23, $0xb8;
	[tilespmem:$0x1EFE0] =	vst v63  }
0x11d: {  	_ =	swait.ge [sflag:s31], $0x2000  }
0x11e: {  	[sflag:s31] =	ssyncset.done $0x0  }
0x11f: {  	[sflag:s31] =	ssyncadd.s32 $0xFFFFE000  }
0x120: {  	[spmem:s1] =	stream.indirect.scatter.add.f32 [tilespmem:s25], [sflag:$0x5], $0x40, s16, s23, $0xb8;
	[tilespmem:$0x1EFE0] =	vst v63  }
0x121: {  	_ =	swait.ge [sflag:s20], $0x2000  }
0x122: {  	[sflag:s20] =	ssyncset.done $0x0  }
0x123: {  	[sflag:s20] =	ssyncadd.s32 $0xFFFFE000  }
0x124: {  	[tilespmem:s25], [sflag:$0x2] =	stream.indirect.gather [spmem:s4], $0x40, s0, s23, $0xb8;
	[tilespmem:$0x1EFE0] =	vst v63  }
0x125: {  	_ =	swait.ge [sflag:s2], $0x2000  }
0x126: {  	[sflag:s2] =	ssyncset.done $0x0  }
0x127: {  	[sflag:s2] =	ssyncadd.s32 $0xFFFFE000  }
0x128: {  	[spmem:s1] =	stream.indirect.scatter.add.f32 [tilespmem:s26], [sflag:$0x5], $0x40, s17, s23, $0xb8;
	[tilespmem:$0x1EFE0] =	vst v63  }
0x129: {  	_ =	swait.ge [sflag:s20], $0x2000  }
0x12a: {  	[sflag:s20] =	ssyncset.done $0x0  }
0x12b: {  	[sflag:s20] =	ssyncadd.s32 $0xFFFFE000  }
0x12c: {  	[tilespmem:s26], [sflag:$0x3] =	stream.indirect.gather [spmem:s4], $0x40, s6, s23, $0xb8;
	[tilespmem:$0x1EFE0] =	vst v63  }
0x12d: {  	_ =	swait.ge [sflag:s7], $0x2000  }
0x12e: {  	[sflag:s7] =	ssyncset.done $0x0  }
0x12f: {  	[sflag:s7] =	ssyncadd.s32 $0xFFFFE000  }
0x130: {  	[spmem:s1] =	stream.indirect.scatter.add.f32 [tilespmem:s28], [sflag:$0x5], $0x40, s18, s23, $0xb8;
	[tilespmem:$0x1EFE0] =	vst v63  }
0x131: {  	_ =	swait.ge [sflag:s20], $0x2000  }
0x132: {  	[sflag:s20] =	ssyncset.done $0x0  }
0x133: {  	[sflag:s20] =	ssyncadd.s32 $0xFFFFE000  }
0x134: {  	[tilespmem:s28], [sflag:$0x4] =	stream.indirect.gather [spmem:s4], $0x40, s9, s23, $0xb8;
	[tilespmem:$0x1EFE0] =	vst v63  }
0x135: {  	_ =	swait.ge [sflag:s29], $0x2000  }
0x136: {  	[sflag:s29] =	ssyncset.done $0x0  }
0x137: {  	[sflag:s29] =	ssyncadd.s32 $0xFFFFE000  }
0x138: {  	[spmem:s1] =	stream.indirect.scatter.add.f32 [tilespmem:s24], [sflag:$0x5], $0x40, s10, s23, $0xb8;
	[tilespmem:$0x1EFE0] =	vst v63  }
0x139: {  	_ =	swait.ge [sflag:s20], $0x2000  }
0x13a: {  	[sflag:s20] =	ssyncset.done $0x0  }
0x13b: {  	[sflag:s20] =	ssyncadd.s32 $0xFFFFE000  }
0x13c: {  	_ =	swait.ge [sflag:s31], $0x2000  }
0x13d: {  	[sflag:s31] =	ssyncset.done $0x0  }
0x13e: {  	[sflag:s31] =	ssyncadd.s32 $0xFFFFE000  }
0x13f: {  	[spmem:s1] =	stream.indirect.scatter.add.f32 [tilespmem:s25], [sflag:$0x5], $0x40, s11, s23, $0xb8;
	[tilespmem:$0x1EFE0] =	vst v63  }
0x140: {  	_ =	swait.ge [sflag:s20], $0x2000  }
0x141: {  	[sflag:s20] =	ssyncset.done $0x0  }
0x142: {  	[sflag:s20] =	ssyncadd.s32 $0xFFFFE000  }
0x143: {  	_ =	swait.ge [sflag:s2], $0x2000  }
0x144: {  	[sflag:s2] =	ssyncset.done $0x0  }
0x145: {  	[sflag:s2] =	ssyncadd.s32 $0xFFFFE000  }
0x146: {  	[spmem:s1] =	stream.indirect.scatter.add.f32 [tilespmem:s26], [sflag:$0x5], $0x40, s12, s23, $0xb8;
	[tilespmem:$0x1EFE0] =	vst v63  }
0x147: {  	_ =	swait.ge [sflag:s20], $0x2000  }
0x148: {  	[sflag:s20] =	ssyncset.done $0x0  }
0x149: {  	[sflag:s20] =	ssyncadd.s32 $0xFFFFE000  }
0x14a: {  	_ =	swait.ge [sflag:s7], $0x2000  }
0x14b: {  	[sflag:s7] =	ssyncset.done $0x0  }
0x14c: {  	[sflag:s7] =	ssyncadd.s32 $0xFFFFE000  }
0x14d: {  	[spmem:s1] =	stream.indirect.scatter.add.f32 [tilespmem:s28], [sflag:$0x5], $0x40, s13, s23, $0xb8;
	[tilespmem:$0x1EFE0] =	vst v63  }
0x14e: {  	_ =	swait.ge [sflag:s20], $0x2000  }
0x14f: {  	[sflag:s20] =	ssyncset.done $0x0  }
0x150: {  	[sflag:s20] =	ssyncadd.s32 $0xFFFFE000  }
0x151: {  	[bflag:$0x0] =	sbarrier.arrive $0xFFFF  }
0x152: {  	s19 =	rddreg [dreg:$0x10]  }
0x153: {  	s22 =	rddreg [dreg:$0x13]  }
0x154: {  	s14 =	rddreg [dreg:$0x17]  }
0x155: {  	[hbm:s22], [sflag:s19] =	dma.local [spmem:s14], $0x1390  }
0x156: {  	_ =	swait.ge [sflag:s20], $0x1390  }
0x157: {  	[sflag:s20] =	ssyncset.done $0x0;
	s8 =	rddreg [dreg:$0x14]  }
0x158: {  	s22 =	rddreg [dreg:$0x1a];
	[sflag:s20] =	ssyncadd.s32 $0xFFFFEC70  }
0x159: {  	[hbm:s8], [sflag:s19] =	dma.local [spmem:s22], $0x4E4  }
0x15a: {  	_ =	swait.ge [sflag:s20], $0x4E4  }
0x15b: {  	s8 =	rddreg [dreg:$0x19]  }
0x15c: {  	s22 =	sadd.s32 $0x1, s8;
	s8 =	rddreg [dreg:$0x15]  }
0x15d: {  	p0 =	sne.s32 s22, s8  }
.Ltmp1:
0x15e: {  	_ = 	snop;
	(pc) =	sbr.rel @p0 .LBB2_1-.Ltmp1, $3  }
0x15f: {  	_ =	sdelay $0x1  }
0x160: {  	[sflag:s20] =	ssyncset.done $0x0  }
0x161: {  	[sflag:s20] =	ssyncadd.s32 $0xFFFFFB1C  }
0x162: {  	_ =	sfence.sel $0x180000  }
0x163: {  	[bflag:$0x0] =	sbarrier.arrive $0xFFFF  }
0x164: {  	_ =	strace $0x90000047  }
0x165: {  	s0 =	stileid.u32;
	[bflag:$0x2] =	sbarrier.arrive $0xFFFF  }
0x166: {  	p0 =	sne.s32 s0, $0x0;
	s0 =	rddreg [dreg:$0x5]  }
0x167: {  	s0 =	sadd.s32 @!p0 $0x100000, s0  }
0x168: {  	[sflag:s0] =	ssyncadd.tile.s32 @!p0 $0x1;
	_ =	shalt  }
.Lfunc_end2:
_tile_overlayer_lowered:
.L_overlay_start_2:
0x169: {  	(tag) =	ssettag $0x2  }
0x16a: {  	s0 =	rddreg [dreg:$0x0];
	s2 =	stileid.u32  }
0x16b: {  	s1 =	rddreg [dreg:$0x1];
	p0 =	sne.s32 s2, $0x0  }
0x16c: {  	s3 =	rddreg [dreg:$0x2];
	[bflag:$0x3] =	sbarrier.arrive $0xFFFF;
	s2 =	simm.s32 @!p0 $0x1C05  }
0x16d: {  	[timem:s3], [sflag:s2] =	dma.local @!p0 [hbm:s0], s1  }
0x16e: {  	s0 =	simm.s32 @!p0 $0x5  }
0x16f: {  	_ =	swait.ge @!p0 [sflag:s0], s1  }
0x170: {  	s1 =	ssub.s32 @!p0 $0x0, s1;
	[sflag:s0] =	ssyncset.done @!p0 $0x0  }
0x171: {  	[sflag:s0] =	ssyncadd.s32 @!p0 s1  }
0x172: {  	[bflag:$0x3] =	sbarrier.arrive $0xFFFF  }
0x173: {  	_ =	shalt  }

</sc_bundles>
